<compile_context>
chip_gen: v7x
topology: tpu7x:2x2x1
jax: 0.10.2.dev20260603
libtpu: 0.0.44.dev20260713+nightly
codegen_flags: <defaults>
</compile_context>

<pallas_src>
import functools

import jax
import jax.numpy as jnp
from jax import lax
from jax.experimental import pallas as pl
from jax.experimental.pallas import tpu as pltpu
from jax.experimental.pallas import tpu_sc as plsc

SCALE_BOUND = 0.11
LIKELIHOOD_BOUND = 1e-09

_MAGIC = 12582912.0
_BIG = 8388608.0

_P = 0.3275911
_A1 = 0.254829592
_A2 = -0.284496736
_A3 = 1.421413741
_A4 = -1.453152027
_A5 = 1.061405429
_INV_SQRT2 = 0.7071067811865476

_B = 8
_R = 1536
_NW = 32
_RW = (_B * _R) // _NW
_CH = 128
_NCH = _RW // _CH


def _round_nte(d):
    q = (d + _MAGIC) - _MAGIC
    return jnp.where(jnp.abs(d) >= _BIG, d, q)



def _sc_body(x_hbm, m_hbm, out_hbm, xb, mb, ob, si0, si1, so0, so1):
    wid = lax.axis_index("s") * 2 + lax.axis_index("c")
    row0 = wid * _RW
    b = row0 // _R
    r_in_b = row0 - b * _R
    sem_in = (si0, si1)
    sem_out = (so0, so1)

    def start_in(k):
        buf = k % 2
        r0 = r_in_b + k * _CH
        return [
            pltpu.async_copy(x_hbm.at[b, pl.ds(r0, _CH)], xb.at[buf], sem_in[buf]),
            pltpu.async_copy(m_hbm.at[b, pl.ds(r0, _CH)], mb.at[buf], sem_in[buf]),
        ]

    hin = [None] * _NCH
    hout = [None] * _NCH
    hin[0] = start_in(0)
    for k in range(_NCH):
        cur = k % 2
        if k + 1 < _NCH:
            hin[k + 1] = start_in(k + 1)
        for h in hin[k]:
            h.wait()
        if k >= 2:
            for h in hout[k - 2]:
                h.wait()

        @plsc.parallel_loop(0, _CH, 1)
        def row(r):
            for j in range(8):
                sl = pl.ds(j * 16, 16)
                mv = mb[cur, r, sl]
                ob[cur, r, sl] = _round_nte(xb[cur, r, sl] - mv) + mv

        r0 = r_in_b + k * _CH
        hout[k] = [
            pltpu.async_copy(ob.at[cur], out_hbm.at[b, pl.ds(r0, _CH)], sem_out[cur]),
        ]
    for h in hout[_NCH - 2]:
        h.wait()
    for h in hout[_NCH - 1]:
        h.wait()



def _erfc_nonneg(a):
    t = 1.0 / (1.0 + _P * a)
    poly = t * (_A1 + t * (_A2 + t * (_A3 + t * (_A4 + t * _A5))))
    return poly * jnp.exp(-(a * a))


def _tc_body(x_ref, s_ref, m_ref, lik_ref):
    x = x_ref[...]
    s = s_ref[...]
    m = m_ref[...]
    v = jnp.abs(_round_nte(x - m))
    sb = jnp.maximum(s, SCALE_BOUND)
    inv = _INV_SQRT2 / sb
    a = (v + 0.5) * inv
    bz = (v - 0.5) * inv
    ea = _erfc_nonneg(a)
    eb_mag = _erfc_nonneg(jnp.abs(bz))
    eb = jnp.where(bz < 0.0, 2.0 - eb_mag, eb_mag)
    lik = 0.5 * (eb - ea)
    lik_ref[...] = jnp.maximum(lik, LIKELIHOOD_BOUND)


def kernel(x, scales, means):
    shape = x.shape
    r3 = (_B, _R, 128)
    x3 = x.reshape(r3)
    s3 = scales.reshape(r3)
    m3 = means.reshape(r3)

    bb, br = 2, 768
    spec = pl.BlockSpec((bb, br, 128), lambda i, j: (i, j, 0))
    lik = pl.pallas_call(
        _tc_body,
        grid=(_B // bb, _R // br),
        in_specs=[spec, spec, spec],
        out_specs=spec,
        out_shape=jax.ShapeDtypeStruct(r3, jnp.float32),
    )(x3, s3, m3)

    mesh = plsc.VectorSubcoreMesh(core_axis_name="c", subcore_axis_name="s")
    out = functools.partial(
        pl.kernel,
        mesh=mesh,
        compiler_params=pltpu.CompilerParams(use_tc_tiling_on_sc=True),
        out_type=jax.ShapeDtypeStruct(r3, jnp.float32),
        scratch_types=[
            pltpu.VMEM((2, _CH, 128), jnp.float32),
            pltpu.VMEM((2, _CH, 128), jnp.float32),
            pltpu.VMEM((2, _CH, 128), jnp.float32),
            pltpu.SemaphoreType.DMA,
            pltpu.SemaphoreType.DMA,
            pltpu.SemaphoreType.DMA,
            pltpu.SemaphoreType.DMA,
        ],
    )(_sc_body)(x3, m3)

    return out.reshape(shape), lik.reshape(shape)

# --- scband reference (transcript-rebuilt; emitter-appended) ---
"""Pipeline reference for scband-adapted-gaussian-conditional-7035156431605 (READ-ONLY COPY).

The authoritative reference and input builder live on the scoring server;
editing this copy changes nothing except your own understanding.
"""

import jax, jax.numpy as jnp
import numpy as np
from jax.scipy.special import erfc

SCALE_BOUND = 0.11
LIKELIHOOD_BOUND = 1e-09


def setup_inputs(seed: int = 0) -> dict:
    key = jax.random.key(seed)
    k1, k2, k3 = jax.random.split(key, 3)
    shape = (8, 192, 32, 32)
    x = jax.random.normal(k1, shape, dtype=jnp.float32)
    scales = jax.random.uniform(k2, shape, dtype=jnp.float32)
    means = jax.random.normal(k3, shape, dtype=jnp.float32)
    return {"x": x, "scales": scales, "means": means}


def _standardized_cumulative(inputs):
    half = 0.5
    const = -(2 ** -0.5)
    return half * erfc(const * inputs)


def reference(x, scales, means):
    # GaussianConditional forward: quantize (round w/ mean offset, eval-style
    # deterministic quantization) then compute Gaussian likelihoods.
    # quantize 'dequantize' mode: round(x - means) + means
    outputs = jnp.round(x - means) + means
    # likelihood
    scales_b = jnp.maximum(scales, SCALE_BOUND)
    values = jnp.abs(outputs - means)
    upper = _standardized_cumulative((0.5 - values) / scales_b)
    lower = _standardized_cumulative((-0.5 - values) / scales_b)
    likelihood = upper - lower
    likelihood = jnp.maximum(likelihood, LIKELIHOOD_BOUND)
    return outputs, likelihood

if __name__ == "__main__":
    import jax
    _d = setup_inputs()
    print(jax.jit(kernel)(*tuple(_d.values())))

</pallas_src>

<mosaic_0001>
#map = affine_map<(d0, d1) -> (0, 0, 0)>
module attributes {stable_mosaic.version = 14 : i64} {
  func.func @_sc_body(%arg0: i32, %arg1: i32, %arg2: memref<8x1536x128xf32, #tpu.memory_space<hbm>>, %arg3: memref<8x1536x128xf32, #tpu.memory_space<hbm>>, %arg4: memref<8x1536x128xf32, #tpu.memory_space<hbm>>, %arg5: memref<2x128x128xf32, #tpu.memory_space<vmem>>, %arg6: memref<2x128x128xf32, #tpu.memory_space<vmem>>, %arg7: memref<2x128x128xf32, #tpu.memory_space<vmem>>, %arg8: memref<!tpu.dma_semaphore, #tpu.memory_space<semaphore_mem>>, %arg9: memref<!tpu.dma_semaphore, #tpu.memory_space<semaphore_mem>>, %arg10: memref<!tpu.dma_semaphore, #tpu.memory_space<semaphore_mem>>, %arg11: memref<!tpu.dma_semaphore, #tpu.memory_space<semaphore_mem>>) attributes {dimension_semantics = [#tpu.dimension_semantics<core_parallel>, #tpu.dimension_semantics<subcore_parallel>], iteration_bounds = array<i64: 2, 16>, scalar_prefetch = 0 : i64, scratch_operands = 7 : i64, tpu.core_type = #tpu.core_type<sc_vector_subcore>, window_params = [{transform_indices = #map}, {transform_indices = #map}, {transform_indices = #map}]} {
    %mul3A = arith.constant 2 : i32
    %mul3A_0 = arith.muli %arg1, %mul3A : i32
    %add3A = arith.addi %mul3A_0, %arg0 : i32
    %mul3A_1 = arith.constant 384 : i32
    %mul3A_2 = arith.muli %add3A, %mul3A_1 : i32
    %jit3A = arith.constant 1536 : i32
    %div3A = arith.divsi %mul3A_2, %jit3A : i32
    %sign3A = arith.constant 0 : i32
    %sign3A_3 = arith.cmpi sgt, %mul3A_2, %sign3A : i32
    %sign3A_4 = arith.extui %sign3A_3 : i1 to i32
    %sign3A_5 = arith.constant 0 : i32
    %sign3A_6 = arith.cmpi slt, %mul3A_2, %sign3A_5 : i32
    %sign3A_7 = arith.extui %sign3A_6 : i1 to i32
    %sign3A_8 = arith.subi %sign3A_4, %sign3A_7 : i32
    %sign3A_9 = arith.constant 0 : i32
    %sign3A_10 = arith.cmpi sgt, %jit3A, %sign3A_9 : i32
    %sign3A_11 = arith.extui %sign3A_10 : i1 to i32
    %sign3A_12 = arith.constant 0 : i32
    %sign3A_13 = arith.cmpi slt, %jit3A, %sign3A_12 : i32
    %sign3A_14 = arith.extui %sign3A_13 : i1 to i32
    %sign3A_15 = arith.subi %sign3A_11, %sign3A_14 : i32
    %ne3A = arith.cmpi ne, %sign3A_8, %sign3A_15 : i32
    %rem3A = arith.remsi %mul3A_2, %jit3A : i32
    %ne3A_16 = arith.constant 0 : i32
    %ne3A_17 = arith.cmpi ne, %rem3A, %ne3A_16 : i32
    %and3A = arith.andi %ne3A, %ne3A_17 : i1
    %sub3A = arith.constant 1 : i32
    %sub3A_18 = arith.subi %div3A, %sub3A : i32
    %select_n3A = arith.select %and3A, %sub3A_18, %div3A : i32
    %mul3A_19 = arith.constant 1536 : i32
    %mul3A_20 = arith.muli %select_n3A, %mul3A_19 : i32
    %sub3A_21 = arith.subi %mul3A_2, %mul3A_20 : i32
    %add3A_22 = arith.constant 0 : i32
    %add3A_23 = arith.addi %sub3A_21, %add3A_22 : i32
    %dma_start3A = arith.constant 0 : i32
    %dma_start3A_24 = arith.constant 0 : i32
    %dma_start3A_25 = arith.constant 0 : i32
    %dma_start3A_26 = tpu.memref_slice %arg5[%dma_start3A, %dma_start3A_24, %dma_start3A_25] : memref<2x128x128xf32, #tpu.memory_space<vmem>> -> memref<1x128x128xf32, #tpu.memory_space<vmem>>
    %dma_start3A_27 = tpu.memref_squeeze %dma_start3A_26 : memref<1x128x128xf32, #tpu.memory_space<vmem>> -> memref<128x128xf32, #tpu.memory_space<vmem>>
    %dma_start3A_28 = arith.constant 0 : i32
    %dma_start3A_29 = tpu.memref_slice %arg2[%select_n3A, %add3A_23, %dma_start3A_28] : memref<8x1536x128xf32, #tpu.memory_space<hbm>> -> memref<1x128x128xf32, #tpu.memory_space<hbm>>
    %dma_start3A_30 = tpu.memref_squeeze %dma_start3A_29 : memref<1x128x128xf32, #tpu.memory_space<hbm>> -> memref<128x128xf32, #tpu.memory_space<hbm>>
    %dma_start3A_31 = arith.constant 0 : i32
    %dma_start3A_32 = arith.constant 0 : i32
    %dma_start3A_33 = tpu.memref_slice %arg5[%dma_start3A, %dma_start3A_31, %dma_start3A_32] : memref<2x128x128xf32, #tpu.memory_space<vmem>> -> memref<1x128x128xf32, #tpu.memory_space<vmem>>
    %dma_start3A_34 = tpu.memref_squeeze %dma_start3A_33 : memref<1x128x128xf32, #tpu.memory_space<vmem>> -> memref<128x128xf32, #tpu.memory_space<vmem>>
    %dma_start3A_35 = arith.constant 0 : i32
    %dma_start3A_36 = tpu.memref_slice %arg2[%select_n3A, %add3A_23, %dma_start3A_35] : memref<8x1536x128xf32, #tpu.memory_space<hbm>> -> memref<1x128x128xf32, #tpu.memory_space<hbm>>
    %dma_start3A_37 = tpu.memref_squeeze %dma_start3A_36 : memref<1x128x128xf32, #tpu.memory_space<hbm>> -> memref<128x128xf32, #tpu.memory_space<hbm>>
    tpu.enqueue_dma source(%dma_start3A_37 : memref<128x128xf32, #tpu.memory_space<hbm>>) target(%dma_start3A_34 : memref<128x128xf32, #tpu.memory_space<vmem>>) target_semaphore(%arg8 : memref<!tpu.dma_semaphore, #tpu.memory_space<semaphore_mem>>)
    %dma_start3A_38 = arith.constant 0 : i32
    %dma_start3A_39 = arith.constant 0 : i32
    %dma_start3A_40 = arith.constant 0 : i32
    %dma_start3A_41 = tpu.memref_slice %arg6[%dma_start3A_38, %dma_start3A_39, %dma_start3A_40] : memref<2x128x128xf32, #tpu.memory_space<vmem>> -> memref<1x128x128xf32, #tpu.memory_space<vmem>>
    %dma_start3A_42 = tpu.memref_squeeze %dma_start3A_41 : memref<1x128x128xf32, #tpu.memory_space<vmem>> -> memref<128x128xf32, #tpu.memory_space<vmem>>
    %dma_start3A_43 = arith.constant 0 : i32
    %dma_start3A_44 = tpu.memref_slice %arg3[%select_n3A, %add3A_23, %dma_start3A_43] : memref<8x1536x128xf32, #tpu.memory_space<hbm>> -> memref<1x128x128xf32, #tpu.memory_space<hbm>>
    %dma_start3A_45 = tpu.memref_squeeze %dma_start3A_44 : memref<1x128x128xf32, #tpu.memory_space<hbm>> -> memref<128x128xf32, #tpu.memory_space<hbm>>
    %dma_start3A_46 = arith.constant 0 : i32
    %dma_start3A_47 = arith.constant 0 : i32
    %dma_start3A_48 = tpu.memref_slice %arg6[%dma_start3A_38, %dma_start3A_46, %dma_start3A_47] : memref<2x128x128xf32, #tpu.memory_space<vmem>> -> memref<1x128x128xf32, #tpu.memory_space<vmem>>
    %dma_start3A_49 = tpu.memref_squeeze %dma_start3A_48 : memref<1x128x128xf32, #tpu.memory_space<vmem>> -> memref<128x128xf32, #tpu.memory_space<vmem>>
    %dma_start3A_50 = arith.constant 0 : i32
    %dma_start3A_51 = tpu.memref_slice %arg3[%select_n3A, %add3A_23, %dma_start3A_50] : memref<8x1536x128xf32, #tpu.memory_space<hbm>> -> memref<1x128x128xf32, #tpu.memory_space<hbm>>
    %dma_start3A_52 = tpu.memref_squeeze %dma_start3A_51 : memref<1x128x128xf32, #tpu.memory_space<hbm>> -> memref<128x128xf32, #tpu.memory_space<hbm>>
    tpu.enqueue_dma source(%dma_start3A_52 : memref<128x128xf32, #tpu.memory_space<hbm>>) target(%dma_start3A_49 : memref<128x128xf32, #tpu.memory_space<vmem>>) target_semaphore(%arg8 : memref<!tpu.dma_semaphore, #tpu.memory_space<semaphore_mem>>)
    %add3A_53 = arith.constant 128 : i32
    %add3A_54 = arith.addi %sub3A_21, %add3A_53 : i32
    %dma_start3A_55 = arith.constant 1 : i32
    %dma_start3A_56 = arith.constant 0 : i32
    %dma_start3A_57 = arith.constant 0 : i32
    %dma_start3A_58 = tpu.memref_slice %arg5[%dma_start3A_55, %dma_start3A_56, %dma_start3A_57] : memref<2x128x128xf32, #tpu.memory_space<vmem>> -> memref<1x128x128xf32, #tpu.memory_space<vmem>>
    %dma_start3A_59 = tpu.memref_squeeze %dma_start3A_58 : memref<1x128x128xf32, #tpu.memory_space<vmem>> -> memref<128x128xf32, #tpu.memory_space<vmem>>
    %dma_start3A_60 = arith.constant 0 : i32
    %dma_start3A_61 = tpu.memref_slice %arg2[%select_n3A, %add3A_54, %dma_start3A_60] : memref<8x1536x128xf32, #tpu.memory_space<hbm>> -> memref<1x128x128xf32, #tpu.memory_space<hbm>>
    %dma_start3A_62 = tpu.memref_squeeze %dma_start3A_61 : memref<1x128x128xf32, #tpu.memory_space<hbm>> -> memref<128x128xf32, #tpu.memory_space<hbm>>
    %dma_start3A_63 = arith.constant 0 : i32
    %dma_start3A_64 = arith.constant 0 : i32
    %dma_start3A_65 = tpu.memref_slice %arg5[%dma_start3A_55, %dma_start3A_63, %dma_start3A_64] : memref<2x128x128xf32, #tpu.memory_space<vmem>> -> memref<1x128x128xf32, #tpu.memory_space<vmem>>
    %dma_start3A_66 = tpu.memref_squeeze %dma_start3A_65 : memref<1x128x128xf32, #tpu.memory_space<vmem>> -> memref<128x128xf32, #tpu.memory_space<vmem>>
    %dma_start3A_67 = arith.constant 0 : i32
    %dma_start3A_68 = tpu.memref_slice %arg2[%select_n3A, %add3A_54, %dma_start3A_67] : memref<8x1536x128xf32, #tpu.memory_space<hbm>> -> memref<1x128x128xf32, #tpu.memory_space<hbm>>
    %dma_start3A_69 = tpu.memref_squeeze %dma_start3A_68 : memref<1x128x128xf32, #tpu.memory_space<hbm>> -> memref<128x128xf32, #tpu.memory_space<hbm>>
    tpu.enqueue_dma source(%dma_start3A_69 : memref<128x128xf32, #tpu.memory_space<hbm>>) target(%dma_start3A_66 : memref<128x128xf32, #tpu.memory_space<vmem>>) target_semaphore(%arg9 : memref<!tpu.dma_semaphore, #tpu.memory_space<semaphore_mem>>)
    %dma_start3A_70 = arith.constant 1 : i32
    %dma_start3A_71 = arith.constant 0 : i32
    %dma_start3A_72 = arith.constant 0 : i32
    %dma_start3A_73 = tpu.memref_slice %arg6[%dma_start3A_70, %dma_start3A_71, %dma_start3A_72] : memref<2x128x128xf32, #tpu.memory_space<vmem>> -> memref<1x128x128xf32, #tpu.memory_space<vmem>>
    %dma_start3A_74 = tpu.memref_squeeze %dma_start3A_73 : memref<1x128x128xf32, #tpu.memory_space<vmem>> -> memref<128x128xf32, #tpu.memory_space<vmem>>
    %dma_start3A_75 = arith.constant 0 : i32
    %dma_start3A_76 = tpu.memref_slice %arg3[%select_n3A, %add3A_54, %dma_start3A_75] : memref<8x1536x128xf32, #tpu.memory_space<hbm>> -> memref<1x128x128xf32, #tpu.memory_space<hbm>>
    %dma_start3A_77 = tpu.memref_squeeze %dma_start3A_76 : memref<1x128x128xf32, #tpu.memory_space<hbm>> -> memref<128x128xf32, #tpu.memory_space<hbm>>
    %dma_start3A_78 = arith.constant 0 : i32
    %dma_start3A_79 = arith.constant 0 : i32
    %dma_start3A_80 = tpu.memref_slice %arg6[%dma_start3A_70, %dma_start3A_78, %dma_start3A_79] : memref<2x128x128xf32, #tpu.memory_space<vmem>> -> memref<1x128x128xf32, #tpu.memory_space<vmem>>
    %dma_start3A_81 = tpu.memref_squeeze %dma_start3A_80 : memref<1x128x128xf32, #tpu.memory_space<vmem>> -> memref<128x128xf32, #tpu.memory_space<vmem>>
    %dma_start3A_82 = arith.constant 0 : i32
    %dma_start3A_83 = tpu.memref_slice %arg3[%select_n3A, %add3A_54, %dma_start3A_82] : memref<8x1536x128xf32, #tpu.memory_space<hbm>> -> memref<1x128x128xf32, #tpu.memory_space<hbm>>
    %dma_start3A_84 = tpu.memref_squeeze %dma_start3A_83 : memref<1x128x128xf32, #tpu.memory_space<hbm>> -> memref<128x128xf32, #tpu.memory_space<hbm>>
    tpu.enqueue_dma source(%dma_start3A_84 : memref<128x128xf32, #tpu.memory_space<hbm>>) target(%dma_start3A_81 : memref<128x128xf32, #tpu.memory_space<vmem>>) target_semaphore(%arg9 : memref<!tpu.dma_semaphore, #tpu.memory_space<semaphore_mem>>)
    %dma_wait3A = arith.constant 0 : i32
    %dma_wait3A_85 = arith.constant 0 : i32
    %dma_wait3A_86 = arith.constant 0 : i32
    %dma_wait3A_87 = tpu.memref_slice %arg5[%dma_wait3A, %dma_wait3A_85, %dma_wait3A_86] : memref<2x128x128xf32, #tpu.memory_space<vmem>> -> memref<1x128x128xf32, #tpu.memory_space<vmem>>
    %dma_wait3A_88 = tpu.memref_squeeze %dma_wait3A_87 : memref<1x128x128xf32, #tpu.memory_space<vmem>> -> memref<128x128xf32, #tpu.memory_space<vmem>>
    %dma_wait3A_89 = arith.constant 0 : i32
    %dma_wait3A_90 = tpu.memref_slice %arg2[%select_n3A, %add3A_23, %dma_wait3A_89] : memref<8x1536x128xf32, #tpu.memory_space<hbm>> -> memref<1x128x128xf32, #tpu.memory_space<hbm>>
    %dma_wait3A_91 = tpu.memref_squeeze %dma_wait3A_90 : memref<1x128x128xf32, #tpu.memory_space<hbm>> -> memref<128x128xf32, #tpu.memory_space<hbm>>
    %dma_wait3A_92 = arith.constant 0 : i32
    %dma_wait3A_93 = arith.constant 0 : i32
    %dma_wait3A_94 = tpu.memref_slice %arg5[%dma_wait3A, %dma_wait3A_92, %dma_wait3A_93] : memref<2x128x128xf32, #tpu.memory_space<vmem>> -> memref<1x128x128xf32, #tpu.memory_space<vmem>>
    %dma_wait3A_95 = tpu.memref_squeeze %dma_wait3A_94 : memref<1x128x128xf32, #tpu.memory_space<vmem>> -> memref<128x128xf32, #tpu.memory_space<vmem>>
    %dma_wait3A_96 = arith.constant 0 : i32
    %dma_wait3A_97 = tpu.memref_slice %arg2[%select_n3A, %add3A_23, %dma_wait3A_96] : memref<8x1536x128xf32, #tpu.memory_space<hbm>> -> memref<1x128x128xf32, #tpu.memory_space<hbm>>
    %dma_wait3A_98 = tpu.memref_squeeze %dma_wait3A_97 : memref<1x128x128xf32, #tpu.memory_space<hbm>> -> memref<128x128xf32, #tpu.memory_space<hbm>>
    tpu.wait_dma2 semaphore(%arg8 : memref<!tpu.dma_semaphore, #tpu.memory_space<semaphore_mem>>) src(%dma_wait3A_98 : memref<128x128xf32, #tpu.memory_space<hbm>>) dst(%dma_wait3A_95 : memref<128x128xf32, #tpu.memory_space<vmem>>)
    %dma_wait3A_99 = arith.constant 0 : i32
    %dma_wait3A_100 = arith.constant 0 : i32
    %dma_wait3A_101 = arith.constant 0 : i32
    %dma_wait3A_102 = tpu.memref_slice %arg6[%dma_wait3A_99, %dma_wait3A_100, %dma_wait3A_101] : memref<2x128x128xf32, #tpu.memory_space<vmem>> -> memref<1x128x128xf32, #tpu.memory_space<vmem>>
    %dma_wait3A_103 = tpu.memref_squeeze %dma_wait3A_102 : memref<1x128x128xf32, #tpu.memory_space<vmem>> -> memref<128x128xf32, #tpu.memory_space<vmem>>
    %dma_wait3A_104 = arith.constant 0 : i32
    %dma_wait3A_105 = tpu.memref_slice %arg3[%select_n3A, %add3A_23, %dma_wait3A_104] : memref<8x1536x128xf32, #tpu.memory_space<hbm>> -> memref<1x128x128xf32, #tpu.memory_space<hbm>>
    %dma_wait3A_106 = tpu.memref_squeeze %dma_wait3A_105 : memref<1x128x128xf32, #tpu.memory_space<hbm>> -> memref<128x128xf32, #tpu.memory_space<hbm>>
    %dma_wait3A_107 = arith.constant 0 : i32
    %dma_wait3A_108 = arith.constant 0 : i32
    %dma_wait3A_109 = tpu.memref_slice %arg6[%dma_wait3A_99, %dma_wait3A_107, %dma_wait3A_108] : memref<2x128x128xf32, #tpu.memory_space<vmem>> -> memref<1x128x128xf32, #tpu.memory_space<vmem>>
    %dma_wait3A_110 = tpu.memref_squeeze %dma_wait3A_109 : memref<1x128x128xf32, #tpu.memory_space<vmem>> -> memref<128x128xf32, #tpu.memory_space<vmem>>
    %dma_wait3A_111 = arith.constant 0 : i32
    %dma_wait3A_112 = tpu.memref_slice %arg3[%select_n3A, %add3A_23, %dma_wait3A_111] : memref<8x1536x128xf32, #tpu.memory_space<hbm>> -> memref<1x128x128xf32, #tpu.memory_space<hbm>>
    %dma_wait3A_113 = tpu.memref_squeeze %dma_wait3A_112 : memref<1x128x128xf32, #tpu.memory_space<hbm>> -> memref<128x128xf32, #tpu.memory_space<hbm>>
    tpu.wait_dma2 semaphore(%arg8 : memref<!tpu.dma_semaphore, #tpu.memory_space<semaphore_mem>>) src(%dma_wait3A_113 : memref<128x128xf32, #tpu.memory_space<hbm>>) dst(%dma_wait3A_110 : memref<128x128xf32, #tpu.memory_space<vmem>>)
    %parallel_loop3A = arith.constant 0 : i32
    %parallel_loop3A_114 = arith.constant 128 : i32
    %parallel_loop3A_115 = arith.constant 1 : i32
    scf.for %parallel_loop3A_310 = %parallel_loop3A to %parallel_loop3A_114 step %parallel_loop3A_115  : i32 {
      %parallel_loop3A_311 = arith.constant 0 : i32
      %parallel_loop3A_312 = arith.index_cast %parallel_loop3A_311 : i32 to index
      %parallel_loop3A_313 = arith.index_cast %parallel_loop3A_310 : i32 to index
      %parallel_loop3A_314 = arith.constant 0 : index
      %parallel_loop3A_315 = tpu.vector_load %arg6[%parallel_loop3A_312, %parallel_loop3A_313, %parallel_loop3A_314] {strides = array<i32>} : memref<2x128x128xf32, #tpu.memory_space<vmem>>, vector<1x1x16xf32>,
      %parallel_loop3A_316 = vector.shape_cast %parallel_loop3A_315 : vector<1x1x16xf32> to vector<16xf32>
      %parallel_loop3A_317 = arith.constant 0 : i32
      %parallel_loop3A_318 = arith.index_cast %parallel_loop3A_317 : i32 to index
      %parallel_loop3A_319 = arith.index_cast %parallel_loop3A_310 : i32 to index
      %parallel_loop3A_320 = arith.constant 0 : index
      %parallel_loop3A_321 = tpu.vector_load %arg5[%parallel_loop3A_318, %parallel_loop3A_319, %parallel_loop3A_320] {strides = array<i32>} : memref<2x128x128xf32, #tpu.memory_space<vmem>>, vector<1x1x16xf32>,
      %parallel_loop3A_322 = vector.shape_cast %parallel_loop3A_321 : vector<1x1x16xf32> to vector<16xf32>
      %parallel_loop3A_323 = arith.subf %parallel_loop3A_322, %parallel_loop3A_316 : vector<16xf32>
      %parallel_loop3A_324 = arith.constant 0x4B400000 : f32
      %parallel_loop3A_325 = vector.broadcast %parallel_loop3A_324 : f32 to vector<16xf32>
      %parallel_loop3A_326 = arith.addf %parallel_loop3A_323, %parallel_loop3A_325 : vector<16xf32>
      %parallel_loop3A_327 = arith.constant 0x4B400000 : f32
      %parallel_loop3A_328 = vector.broadcast %parallel_loop3A_327 : f32 to vector<16xf32>
      %parallel_loop3A_329 = arith.subf %parallel_loop3A_326, %parallel_loop3A_328 : vector<16xf32>
      %parallel_loop3A_330 = math.absf %parallel_loop3A_323 : vector<16xf32>
      %parallel_loop3A_331 = arith.constant 0x4B000000 : f32
      %parallel_loop3A_332 = vector.broadcast %parallel_loop3A_331 : f32 to vector<16xf32>
      %parallel_loop3A_333 = arith.cmpf oge, %parallel_loop3A_330, %parallel_loop3A_332 : vector<16xf32>
      %parallel_loop3A_334 = arith.select %parallel_loop3A_333, %parallel_loop3A_323, %parallel_loop3A_329 : vector<16xi1>, vector<16xf32>
      %parallel_loop3A_335 = arith.addf %parallel_loop3A_334, %parallel_loop3A_316 : vector<16xf32>
      %parallel_loop3A_336 = arith.constant 0 : i32
      %parallel_loop3A_337 = arith.index_cast %parallel_loop3A_336 : i32 to index
      %parallel_loop3A_338 = arith.index_cast %parallel_loop3A_310 : i32 to index
      %parallel_loop3A_339 = arith.constant 0 : index
      %parallel_loop3A_340 = tpu.vector_load %arg7[%parallel_loop3A_337, %parallel_loop3A_338, %parallel_loop3A_339] {strides = array<i32>} : memref<2x128x128xf32, #tpu.memory_space<vmem>>, vector<1x1x16xf32>,
      %parallel_loop3A_341 = vector.shape_cast %parallel_loop3A_340 : vector<1x1x16xf32> to vector<16xf32>
      %parallel_loop3A_342 = vector.shape_cast %parallel_loop3A_335 : vector<16xf32> to vector<1x1x16xf32>
      tpu.vector_store %arg7[%parallel_loop3A_337, %parallel_loop3A_338, %parallel_loop3A_339], %parallel_loop3A_342 {strides = array<i32>} : memref<2x128x128xf32, #tpu.memory_space<vmem>>, vector<1x1x16xf32>,
      %parallel_loop3A_343 = arith.constant 0 : i32
      %parallel_loop3A_344 = arith.index_cast %parallel_loop3A_343 : i32 to index
      %parallel_loop3A_345 = arith.index_cast %parallel_loop3A_310 : i32 to index
      %parallel_loop3A_346 = arith.constant 16 : index
      %parallel_loop3A_347 = tpu.vector_load %arg6[%parallel_loop3A_344, %parallel_loop3A_345, %parallel_loop3A_346] {strides = array<i32>} : memref<2x128x128xf32, #tpu.memory_space<vmem>>, vector<1x1x16xf32>,
      %parallel_loop3A_348 = vector.shape_cast %parallel_loop3A_347 : vector<1x1x16xf32> to vector<16xf32>
      %parallel_loop3A_349 = arith.constant 0 : i32
      %parallel_loop3A_350 = arith.index_cast %parallel_loop3A_349 : i32 to index
      %parallel_loop3A_351 = arith.index_cast %parallel_loop3A_310 : i32 to index
      %parallel_loop3A_352 = arith.constant 16 : index
      %parallel_loop3A_353 = tpu.vector_load %arg5[%parallel_loop3A_350, %parallel_loop3A_351, %parallel_loop3A_352] {strides = array<i32>} : memref<2x128x128xf32, #tpu.memory_space<vmem>>, vector<1x1x16xf32>,
      %parallel_loop3A_354 = vector.shape_cast %parallel_loop3A_353 : vector<1x1x16xf32> to vector<16xf32>
      %parallel_loop3A_355 = arith.subf %parallel_loop3A_354, %parallel_loop3A_348 : vector<16xf32>
      %parallel_loop3A_356 = arith.constant 0x4B400000 : f32
      %parallel_loop3A_357 = vector.broadcast %parallel_loop3A_356 : f32 to vector<16xf32>
      %parallel_loop3A_358 = arith.addf %parallel_loop3A_355, %parallel_loop3A_357 : vector<16xf32>
      %parallel_loop3A_359 = arith.constant 0x4B400000 : f32
      %parallel_loop3A_360 = vector.broadcast %parallel_loop3A_359 : f32 to vector<16xf32>
      %parallel_loop3A_361 = arith.subf %parallel_loop3A_358, %parallel_loop3A_360 : vector<16xf32>
      %parallel_loop3A_362 = math.absf %parallel_loop3A_355 : vector<16xf32>
      %parallel_loop3A_363 = arith.constant 0x4B000000 : f32
      %parallel_loop3A_364 = vector.broadcast %parallel_loop3A_363 : f32 to vector<16xf32>
      %parallel_loop3A_365 = arith.cmpf oge, %parallel_loop3A_362, %parallel_loop3A_364 : vector<16xf32>
      %parallel_loop3A_366 = arith.select %parallel_loop3A_365, %parallel_loop3A_355, %parallel_loop3A_361 : vector<16xi1>, vector<16xf32>
      %parallel_loop3A_367 = arith.addf %parallel_loop3A_366, %parallel_loop3A_348 : vector<16xf32>
      %parallel_loop3A_368 = arith.constant 0 : i32
      %parallel_loop3A_369 = arith.index_cast %parallel_loop3A_368 : i32 to index
      %parallel_loop3A_370 = arith.index_cast %parallel_loop3A_310 : i32 to index
      %parallel_loop3A_371 = arith.constant 16 : index
      %parallel_loop3A_372 = tpu.vector_load %arg7[%parallel_loop3A_369, %parallel_loop3A_370, %parallel_loop3A_371] {strides = array<i32>} : memref<2x128x128xf32, #tpu.memory_space<vmem>>, vector<1x1x16xf32>,
      %parallel_loop3A_373 = vector.shape_cast %parallel_loop3A_372 : vector<1x1x16xf32> to vector<16xf32>
      %parallel_loop3A_374 = vector.shape_cast %parallel_loop3A_367 : vector<16xf32> to vector<1x1x16xf32>
      tpu.vector_store %arg7[%parallel_loop3A_369, %parallel_loop3A_370, %parallel_loop3A_371], %parallel_loop3A_374 {strides = array<i32>} : memref<2x128x128xf32, #tpu.memory_space<vmem>>, vector<1x1x16xf32>,
      %parallel_loop3A_375 = arith.constant 0 : i32
      %parallel_loop3A_376 = arith.index_cast %parallel_loop3A_375 : i32 to index
      %parallel_loop3A_377 = arith.index_cast %parallel_loop3A_310 : i32 to index
      %parallel_loop3A_378 = arith.constant 32 : index
      %parallel_loop3A_379 = tpu.vector_load %arg6[%parallel_loop3A_376, %parallel_loop3A_377, %parallel_loop3A_378] {strides = array<i32>} : memref<2x128x128xf32, #tpu.memory_space<vmem>>, vector<1x1x16xf32>,
      %parallel_loop3A_380 = vector.shape_cast %parallel_loop3A_379 : vector<1x1x16xf32> to vector<16xf32>
      %parallel_loop3A_381 = arith.constant 0 : i32
      %parallel_loop3A_382 = arith.index_cast %parallel_loop3A_381 : i32 to index
      %parallel_loop3A_383 = arith.index_cast %parallel_loop3A_310 : i32 to index
      %parallel_loop3A_384 = arith.constant 32 : index
      %parallel_loop3A_385 = tpu.vector_load %arg5[%parallel_loop3A_382, %parallel_loop3A_383, %parallel_loop3A_384] {strides = array<i32>} : memref<2x128x128xf32, #tpu.memory_space<vmem>>, vector<1x1x16xf32>,
      %parallel_loop3A_386 = vector.shape_cast %parallel_loop3A_385 : vector<1x1x16xf32> to vector<16xf32>
      %parallel_loop3A_387 = arith.subf %parallel_loop3A_386, %parallel_loop3A_380 : vector<16xf32>
      %parallel_loop3A_388 = arith.constant 0x4B400000 : f32
      %parallel_loop3A_389 = vector.broadcast %parallel_loop3A_388 : f32 to vector<16xf32>
      %parallel_loop3A_390 = arith.addf %parallel_loop3A_387, %parallel_loop3A_389 : vector<16xf32>
      %parallel_loop3A_391 = arith.constant 0x4B400000 : f32
      %parallel_loop3A_392 = vector.broadcast %parallel_loop3A_391 : f32 to vector<16xf32>
      %parallel_loop3A_393 = arith.subf %parallel_loop3A_390, %parallel_loop3A_392 : vector<16xf32>
      %parallel_loop3A_394 = math.absf %parallel_loop3A_387 : vector<16xf32>
      %parallel_loop3A_395 = arith.constant 0x4B000000 : f32
      %parallel_loop3A_396 = vector.broadcast %parallel_loop3A_395 : f32 to vector<16xf32>
      %parallel_loop3A_397 = arith.cmpf oge, %parallel_loop3A_394, %parallel_loop3A_396 : vector<16xf32>
      %parallel_loop3A_398 = arith.select %parallel_loop3A_397, %parallel_loop3A_387, %parallel_loop3A_393 : vector<16xi1>, vector<16xf32>
      %parallel_loop3A_399 = arith.addf %parallel_loop3A_398, %parallel_loop3A_380 : vector<16xf32>
      %parallel_loop3A_400 = arith.constant 0 : i32
      %parallel_loop3A_401 = arith.index_cast %parallel_loop3A_400 : i32 to index
      %parallel_loop3A_402 = arith.index_cast %parallel_loop3A_310 : i32 to index
      %parallel_loop3A_403 = arith.constant 32 : index
      %parallel_loop3A_404 = tpu.vector_load %arg7[%parallel_loop3A_401, %parallel_loop3A_402, %parallel_loop3A_403] {strides = array<i32>} : memref<2x128x128xf32, #tpu.memory_space<vmem>>, vector<1x1x16xf32>,
      %parallel_loop3A_405 = vector.shape_cast %parallel_loop3A_404 : vector<1x1x16xf32> to vector<16xf32>
      %parallel_loop3A_406 = vector.shape_cast %parallel_loop3A_399 : vector<16xf32> to vector<1x1x16xf32>
      tpu.vector_store %arg7[%parallel_loop3A_401, %parallel_loop3A_402, %parallel_loop3A_403], %parallel_loop3A_406 {strides = array<i32>} : memref<2x128x128xf32, #tpu.memory_space<vmem>>, vector<1x1x16xf32>,
      %parallel_loop3A_407 = arith.constant 0 : i32
      %parallel_loop3A_408 = arith.index_cast %parallel_loop3A_407 : i32 to index
      %parallel_loop3A_409 = arith.index_cast %parallel_loop3A_310 : i32 to index
      %parallel_loop3A_410 = arith.constant 48 : index
      %parallel_loop3A_411 = tpu.vector_load %arg6[%parallel_loop3A_408, %parallel_loop3A_409, %parallel_loop3A_410] {strides = array<i32>} : memref<2x128x128xf32, #tpu.memory_space<vmem>>, vector<1x1x16xf32>,
      %parallel_loop3A_412 = vector.shape_cast %parallel_loop3A_411 : vector<1x1x16xf32> to vector<16xf32>
      %parallel_loop3A_413 = arith.constant 0 : i32
      %parallel_loop3A_414 = arith.index_cast %parallel_loop3A_413 : i32 to index
      %parallel_loop3A_415 = arith.index_cast %parallel_loop3A_310 : i32 to index
      %parallel_loop3A_416 = arith.constant 48 : index
      %parallel_loop3A_417 = tpu.vector_load %arg5[%parallel_loop3A_414, %parallel_loop3A_415, %parallel_loop3A_416] {strides = array<i32>} : memref<2x128x128xf32, #tpu.memory_space<vmem>>, vector<1x1x16xf32>,
      %parallel_loop3A_418 = vector.shape_cast %parallel_loop3A_417 : vector<1x1x16xf32> to vector<16xf32>
      %parallel_loop3A_419 = arith.subf %parallel_loop3A_418, %parallel_loop3A_412 : vector<16xf32>
      %parallel_loop3A_420 = arith.constant 0x4B400000 : f32
      %parallel_loop3A_421 = vector.broadcast %parallel_loop3A_420 : f32 to vector<16xf32>
      %parallel_loop3A_422 = arith.addf %parallel_loop3A_419, %parallel_loop3A_421 : vector<16xf32>
      %parallel_loop3A_423 = arith.constant 0x4B400000 : f32
      %parallel_loop3A_424 = vector.broadcast %parallel_loop3A_423 : f32 to vector<16xf32>
      %parallel_loop3A_425 = arith.subf %parallel_loop3A_422, %parallel_loop3A_424 : vector<16xf32>
      %parallel_loop3A_426 = math.absf %parallel_loop3A_419 : vector<16xf32>
      %parallel_loop3A_427 = arith.constant 0x4B000000 : f32
      %parallel_loop3A_428 = vector.broadcast %parallel_loop3A_427 : f32 to vector<16xf32>
      %parallel_loop3A_429 = arith.cmpf oge, %parallel_loop3A_426, %parallel_loop3A_428 : vector<16xf32>
      %parallel_loop3A_430 = arith.select %parallel_loop3A_429, %parallel_loop3A_419, %parallel_loop3A_425 : vector<16xi1>, vector<16xf32>
      %parallel_loop3A_431 = arith.addf %parallel_loop3A_430, %parallel_loop3A_412 : vector<16xf32>
      %parallel_loop3A_432 = arith.constant 0 : i32
      %parallel_loop3A_433 = arith.index_cast %parallel_loop3A_432 : i32 to index
      %parallel_loop3A_434 = arith.index_cast %parallel_loop3A_310 : i32 to index
      %parallel_loop3A_435 = arith.constant 48 : index
      %parallel_loop3A_436 = tpu.vector_load %arg7[%parallel_loop3A_433, %parallel_loop3A_434, %parallel_loop3A_435] {strides = array<i32>} : memref<2x128x128xf32, #tpu.memory_space<vmem>>, vector<1x1x16xf32>,
      %parallel_loop3A_437 = vector.shape_cast %parallel_loop3A_436 : vector<1x1x16xf32> to vector<16xf32>
      %parallel_loop3A_438 = vector.shape_cast %parallel_loop3A_431 : vector<16xf32> to vector<1x1x16xf32>
      tpu.vector_store %arg7[%parallel_loop3A_433, %parallel_loop3A_434, %parallel_loop3A_435], %parallel_loop3A_438 {strides = array<i32>} : memref<2x128x128xf32, #tpu.memory_space<vmem>>, vector<1x1x16xf32>,
      %parallel_loop3A_439 = arith.constant 0 : i32
      %parallel_loop3A_440 = arith.index_cast %parallel_loop3A_439 : i32 to index
      %parallel_loop3A_441 = arith.index_cast %parallel_loop3A_310 : i32 to index
      %parallel_loop3A_442 = arith.constant 64 : index
      %parallel_loop3A_443 = tpu.vector_load %arg6[%parallel_loop3A_440, %parallel_loop3A_441, %parallel_loop3A_442] {strides = array<i32>} : memref<2x128x128xf32, #tpu.memory_space<vmem>>, vector<1x1x16xf32>,
      %parallel_loop3A_444 = vector.shape_cast %parallel_loop3A_443 : vector<1x1x16xf32> to vector<16xf32>
      %parallel_loop3A_445 = arith.constant 0 : i32
      %parallel_loop3A_446 = arith.index_cast %parallel_loop3A_445 : i32 to index
      %parallel_loop3A_447 = arith.index_cast %parallel_loop3A_310 : i32 to index
      %parallel_loop3A_448 = arith.constant 64 : index
      %parallel_loop3A_449 = tpu.vector_load %arg5[%parallel_loop3A_446, %parallel_loop3A_447, %parallel_loop3A_448] {strides = array<i32>} : memref<2x128x128xf32, #tpu.memory_space<vmem>>, vector<1x1x16xf32>,
      %parallel_loop3A_450 = vector.shape_cast %parallel_loop3A_449 : vector<1x1x16xf32> to vector<16xf32>
      %parallel_loop3A_451 = arith.subf %parallel_loop3A_450, %parallel_loop3A_444 : vector<16xf32>
      %parallel_loop3A_452 = arith.constant 0x4B400000 : f32
      %parallel_loop3A_453 = vector.broadcast %parallel_loop3A_452 : f32 to vector<16xf32>
      %parallel_loop3A_454 = arith.addf %parallel_loop3A_451, %parallel_loop3A_453 : vector<16xf32>
      %parallel_loop3A_455 = arith.constant 0x4B400000 : f32
      %parallel_loop3A_456 = vector.broadcast %parallel_loop3A_455 : f32 to vector<16xf32>
      %parallel_loop3A_457 = arith.subf %parallel_loop3A_454, %parallel_loop3A_456 : vector<16xf32>
      %parallel_loop3A_458 = math.absf %parallel_loop3A_451 : vector<16xf32>
      %parallel_loop3A_459 = arith.constant 0x4B000000 : f32
      %parallel_loop3A_460 = vector.broadcast %parallel_loop3A_459 : f32 to vector<16xf32>
      %parallel_loop3A_461 = arith.cmpf oge, %parallel_loop3A_458, %parallel_loop3A_460 : vector<16xf32>
      %parallel_loop3A_462 = arith.select %parallel_loop3A_461, %parallel_loop3A_451, %parallel_loop3A_457 : vector<16xi1>, vector<16xf32>
      %parallel_loop3A_463 = arith.addf %parallel_loop3A_462, %parallel_loop3A_444 : vector<16xf32>
      %parallel_loop3A_464 = arith.constant 0 : i32
      %parallel_loop3A_465 = arith.index_cast %parallel_loop3A_464 : i32 to index
      %parallel_loop3A_466 = arith.index_cast %parallel_loop3A_310 : i32 to index
      %parallel_loop3A_467 = arith.constant 64 : index
      %parallel_loop3A_468 = tpu.vector_load %arg7[%parallel_loop3A_465, %parallel_loop3A_466, %parallel_loop3A_467] {strides = array<i32>} : memref<2x128x128xf32, #tpu.memory_space<vmem>>, vector<1x1x16xf32>,
      %parallel_loop3A_469 = vector.shape_cast %parallel_loop3A_468 : vector<1x1x16xf32> to vector<16xf32>
      %parallel_loop3A_470 = vector.shape_cast %parallel_loop3A_463 : vector<16xf32> to vector<1x1x16xf32>
      tpu.vector_store %arg7[%parallel_loop3A_465, %parallel_loop3A_466, %parallel_loop3A_467], %parallel_loop3A_470 {strides = array<i32>} : memref<2x128x128xf32, #tpu.memory_space<vmem>>, vector<1x1x16xf32>,
      %parallel_loop3A_471 = arith.constant 0 : i32
      %parallel_loop3A_472 = arith.index_cast %parallel_loop3A_471 : i32 to index
      %parallel_loop3A_473 = arith.index_cast %parallel_loop3A_310 : i32 to index
      %parallel_loop3A_474 = arith.constant 80 : index
      %parallel_loop3A_475 = tpu.vector_load %arg6[%parallel_loop3A_472, %parallel_loop3A_473, %parallel_loop3A_474] {strides = array<i32>} : memref<2x128x128xf32, #tpu.memory_space<vmem>>, vector<1x1x16xf32>,
      %parallel_loop3A_476 = vector.shape_cast %parallel_loop3A_475 : vector<1x1x16xf32> to vector<16xf32>
      %parallel_loop3A_477 = arith.constant 0 : i32
      %parallel_loop3A_478 = arith.index_cast %parallel_loop3A_477 : i32 to index
      %parallel_loop3A_479 = arith.index_cast %parallel_loop3A_310 : i32 to index
      %parallel_loop3A_480 = arith.constant 80 : index
      %parallel_loop3A_481 = tpu.vector_load %arg5[%parallel_loop3A_478, %parallel_loop3A_479, %parallel_loop3A_480] {strides = array<i32>} : memref<2x128x128xf32, #tpu.memory_space<vmem>>, vector<1x1x16xf32>,
      %parallel_loop3A_482 = vector.shape_cast %parallel_loop3A_481 : vector<1x1x16xf32> to vector<16xf32>
      %parallel_loop3A_483 = arith.subf %parallel_loop3A_482, %parallel_loop3A_476 : vector<16xf32>
      %parallel_loop3A_484 = arith.constant 0x4B400000 : f32
      %parallel_loop3A_485 = vector.broadcast %parallel_loop3A_484 : f32 to vector<16xf32>
      %parallel_loop3A_486 = arith.addf %parallel_loop3A_483, %parallel_loop3A_485 : vector<16xf32>
      %parallel_loop3A_487 = arith.constant 0x4B400000 : f32
      %parallel_loop3A_488 = vector.broadcast %parallel_loop3A_487 : f32 to vector<16xf32>
      %parallel_loop3A_489 = arith.subf %parallel_loop3A_486, %parallel_loop3A_488 : vector<16xf32>
      %parallel_loop3A_490 = math.absf %parallel_loop3A_483 : vector<16xf32>
      %parallel_loop3A_491 = arith.constant 0x4B000000 : f32
      %parallel_loop3A_492 = vector.broadcast %parallel_loop3A_491 : f32 to vector<16xf32>
      %parallel_loop3A_493 = arith.cmpf oge, %parallel_loop3A_490, %parallel_loop3A_492 : vector<16xf32>
      %parallel_loop3A_494 = arith.select %parallel_loop3A_493, %parallel_loop3A_483, %parallel_loop3A_489 : vector<16xi1>, vector<16xf32>
      %parallel_loop3A_495 = arith.addf %parallel_loop3A_494, %parallel_loop3A_476 : vector<16xf32>
      %parallel_loop3A_496 = arith.constant 0 : i32
      %parallel_loop3A_497 = arith.index_cast %parallel_loop3A_496 : i32 to index
      %parallel_loop3A_498 = arith.index_cast %parallel_loop3A_310 : i32 to index
      %parallel_loop3A_499 = arith.constant 80 : index
      %parallel_loop3A_500 = tpu.vector_load %arg7[%parallel_loop3A_497, %parallel_loop3A_498, %parallel_loop3A_499] {strides = array<i32>} : memref<2x128x128xf32, #tpu.memory_space<vmem>>, vector<1x1x16xf32>,
      %parallel_loop3A_501 = vector.shape_cast %parallel_loop3A_500 : vector<1x1x16xf32> to vector<16xf32>
      %parallel_loop3A_502 = vector.shape_cast %parallel_loop3A_495 : vector<16xf32> to vector<1x1x16xf32>
      tpu.vector_store %arg7[%parallel_loop3A_497, %parallel_loop3A_498, %parallel_loop3A_499], %parallel_loop3A_502 {strides = array<i32>} : memref<2x128x128xf32, #tpu.memory_space<vmem>>, vector<1x1x16xf32>,
      %parallel_loop3A_503 = arith.constant 0 : i32
      %parallel_loop3A_504 = arith.index_cast %parallel_loop3A_503 : i32 to index
      %parallel_loop3A_505 = arith.index_cast %parallel_loop3A_310 : i32 to index
      %parallel_loop3A_506 = arith.constant 96 : index
      %parallel_loop3A_507 = tpu.vector_load %arg6[%parallel_loop3A_504, %parallel_loop3A_505, %parallel_loop3A_506] {strides = array<i32>} : memref<2x128x128xf32, #tpu.memory_space<vmem>>, vector<1x1x16xf32>,
      %parallel_loop3A_508 = vector.shape_cast %parallel_loop3A_507 : vector<1x1x16xf32> to vector<16xf32>
      %parallel_loop3A_509 = arith.constant 0 : i32
      %parallel_loop3A_510 = arith.index_cast %parallel_loop3A_509 : i32 to index
      %parallel_loop3A_511 = arith.index_cast %parallel_loop3A_310 : i32 to index
      %parallel_loop3A_512 = arith.constant 96 : index
      %parallel_loop3A_513 = tpu.vector_load %arg5[%parallel_loop3A_510, %parallel_loop3A_511, %parallel_loop3A_512] {strides = array<i32>} : memref<2x128x128xf32, #tpu.memory_space<vmem>>, vector<1x1x16xf32>,
      %parallel_loop3A_514 = vector.shape_cast %parallel_loop3A_513 : vector<1x1x16xf32> to vector<16xf32>
      %parallel_loop3A_515 = arith.subf %parallel_loop3A_514, %parallel_loop3A_508 : vector<16xf32>
      %parallel_loop3A_516 = arith.constant 0x4B400000 : f32
      %parallel_loop3A_517 = vector.broadcast %parallel_loop3A_516 : f32 to vector<16xf32>
      %parallel_loop3A_518 = arith.addf %parallel_loop3A_515, %parallel_loop3A_517 : vector<16xf32>
      %parallel_loop3A_519 = arith.constant 0x4B400000 : f32
      %parallel_loop3A_520 = vector.broadcast %parallel_loop3A_519 : f32 to vector<16xf32>
      %parallel_loop3A_521 = arith.subf %parallel_loop3A_518, %parallel_loop3A_520 : vector<16xf32>
      %parallel_loop3A_522 = math.absf %parallel_loop3A_515 : vector<16xf32>
      %parallel_loop3A_523 = arith.constant 0x4B000000 : f32
      %parallel_loop3A_524 = vector.broadcast %parallel_loop3A_523 : f32 to vector<16xf32>
      %parallel_loop3A_525 = arith.cmpf oge, %parallel_loop3A_522, %parallel_loop3A_524 : vector<16xf32>
      %parallel_loop3A_526 = arith.select %parallel_loop3A_525, %parallel_loop3A_515, %parallel_loop3A_521 : vector<16xi1>, vector<16xf32>
      %parallel_loop3A_527 = arith.addf %parallel_loop3A_526, %parallel_loop3A_508 : vector<16xf32>
      %parallel_loop3A_528 = arith.constant 0 : i32
      %parallel_loop3A_529 = arith.index_cast %parallel_loop3A_528 : i32 to index
      %parallel_loop3A_530 = arith.index_cast %parallel_loop3A_310 : i32 to index
      %parallel_loop3A_531 = arith.constant 96 : index
      %parallel_loop3A_532 = tpu.vector_load %arg7[%parallel_loop3A_529, %parallel_loop3A_530, %parallel_loop3A_531] {strides = array<i32>} : memref<2x128x128xf32, #tpu.memory_space<vmem>>, vector<1x1x16xf32>,
      %parallel_loop3A_533 = vector.shape_cast %parallel_loop3A_532 : vector<1x1x16xf32> to vector<16xf32>
      %parallel_loop3A_534 = vector.shape_cast %parallel_loop3A_527 : vector<16xf32> to vector<1x1x16xf32>
      tpu.vector_store %arg7[%parallel_loop3A_529, %parallel_loop3A_530, %parallel_loop3A_531], %parallel_loop3A_534 {strides = array<i32>} : memref<2x128x128xf32, #tpu.memory_space<vmem>>, vector<1x1x16xf32>,
      %parallel_loop3A_535 = arith.constant 0 : i32
      %parallel_loop3A_536 = arith.index_cast %parallel_loop3A_535 : i32 to index
      %parallel_loop3A_537 = arith.index_cast %parallel_loop3A_310 : i32 to index
      %parallel_loop3A_538 = arith.constant 112 : index
      %parallel_loop3A_539 = tpu.vector_load %arg6[%parallel_loop3A_536, %parallel_loop3A_537, %parallel_loop3A_538] {strides = array<i32>} : memref<2x128x128xf32, #tpu.memory_space<vmem>>, vector<1x1x16xf32>,
      %parallel_loop3A_540 = vector.shape_cast %parallel_loop3A_539 : vector<1x1x16xf32> to vector<16xf32>
      %parallel_loop3A_541 = arith.constant 0 : i32
      %parallel_loop3A_542 = arith.index_cast %parallel_loop3A_541 : i32 to index
      %parallel_loop3A_543 = arith.index_cast %parallel_loop3A_310 : i32 to index
      %parallel_loop3A_544 = arith.constant 112 : index
      %parallel_loop3A_545 = tpu.vector_load %arg5[%parallel_loop3A_542, %parallel_loop3A_543, %parallel_loop3A_544] {strides = array<i32>} : memref<2x128x128xf32, #tpu.memory_space<vmem>>, vector<1x1x16xf32>,
      %parallel_loop3A_546 = vector.shape_cast %parallel_loop3A_545 : vector<1x1x16xf32> to vector<16xf32>
      %parallel_loop3A_547 = arith.subf %parallel_loop3A_546, %parallel_loop3A_540 : vector<16xf32>
      %parallel_loop3A_548 = arith.constant 0x4B400000 : f32
      %parallel_loop3A_549 = vector.broadcast %parallel_loop3A_548 : f32 to vector<16xf32>
      %parallel_loop3A_550 = arith.addf %parallel_loop3A_547, %parallel_loop3A_549 : vector<16xf32>
      %parallel_loop3A_551 = arith.constant 0x4B400000 : f32
      %parallel_loop3A_552 = vector.broadcast %parallel_loop3A_551 : f32 to vector<16xf32>
      %parallel_loop3A_553 = arith.subf %parallel_loop3A_550, %parallel_loop3A_552 : vector<16xf32>
      %parallel_loop3A_554 = math.absf %parallel_loop3A_547 : vector<16xf32>
      %parallel_loop3A_555 = arith.constant 0x4B000000 : f32
      %parallel_loop3A_556 = vector.broadcast %parallel_loop3A_555 : f32 to vector<16xf32>
      %parallel_loop3A_557 = arith.cmpf oge, %parallel_loop3A_554, %parallel_loop3A_556 : vector<16xf32>
      %parallel_loop3A_558 = arith.select %parallel_loop3A_557, %parallel_loop3A_547, %parallel_loop3A_553 : vector<16xi1>, vector<16xf32>
      %parallel_loop3A_559 = arith.addf %parallel_loop3A_558, %parallel_loop3A_540 : vector<16xf32>
      %parallel_loop3A_560 = arith.constant 0 : i32
      %parallel_loop3A_561 = arith.index_cast %parallel_loop3A_560 : i32 to index
      %parallel_loop3A_562 = arith.index_cast %parallel_loop3A_310 : i32 to index
      %parallel_loop3A_563 = arith.constant 112 : index
      %parallel_loop3A_564 = tpu.vector_load %arg7[%parallel_loop3A_561, %parallel_loop3A_562, %parallel_loop3A_563] {strides = array<i32>} : memref<2x128x128xf32, #tpu.memory_space<vmem>>, vector<1x1x16xf32>,
      %parallel_loop3A_565 = vector.shape_cast %parallel_loop3A_564 : vector<1x1x16xf32> to vector<16xf32>
      %parallel_loop3A_566 = vector.shape_cast %parallel_loop3A_559 : vector<16xf32> to vector<1x1x16xf32>
      tpu.vector_store %arg7[%parallel_loop3A_561, %parallel_loop3A_562, %parallel_loop3A_563], %parallel_loop3A_566 {strides = array<i32>} : memref<2x128x128xf32, #tpu.memory_space<vmem>>, vector<1x1x16xf32>,
    } {sc.loop_unroll_factor = 1 : i64, sc.parallel_access}
    %add3A_116 = arith.constant 0 : i32
    %add3A_117 = arith.addi %sub3A_21, %add3A_116 : i32
    %dma_start3A_118 = arith.constant 0 : i32
    %dma_start3A_119 = arith.constant 0 : i32
    %dma_start3A_120 = arith.constant 0 : i32
    %dma_start3A_121 = tpu.memref_slice %arg7[%dma_start3A_118, %dma_start3A_119, %dma_start3A_120] : memref<2x128x128xf32, #tpu.memory_space<vmem>> -> memref<1x128x128xf32, #tpu.memory_space<vmem>>
    %dma_start3A_122 = tpu.memref_squeeze %dma_start3A_121 : memref<1x128x128xf32, #tpu.memory_space<vmem>> -> memref<128x128xf32, #tpu.memory_space<vmem>>
    %dma_start3A_123 = arith.constant 0 : i32
    %dma_start3A_124 = tpu.memref_slice %arg4[%select_n3A, %add3A_117, %dma_start3A_123] : memref<8x1536x128xf32, #tpu.memory_space<hbm>> -> memref<1x128x128xf32, #tpu.memory_space<hbm>>
    %dma_start3A_125 = tpu.memref_squeeze %dma_start3A_124 : memref<1x128x128xf32, #tpu.memory_space<hbm>> -> memref<128x128xf32, #tpu.memory_space<hbm>>
    %dma_start3A_126 = arith.constant 0 : i32
    %dma_start3A_127 = tpu.memref_slice %arg4[%select_n3A, %add3A_117, %dma_start3A_126] : memref<8x1536x128xf32, #tpu.memory_space<hbm>> -> memref<1x128x128xf32, #tpu.memory_space<hbm>>
    %dma_start3A_128 = tpu.memref_squeeze %dma_start3A_127 : memref<1x128x128xf32, #tpu.memory_space<hbm>> -> memref<128x128xf32, #tpu.memory_space<hbm>>
    %dma_start3A_129 = arith.constant 0 : i32
    %dma_start3A_130 = arith.constant 0 : i32
    %dma_start3A_131 = tpu.memref_slice %arg7[%dma_start3A_118, %dma_start3A_129, %dma_start3A_130] : memref<2x128x128xf32, #tpu.memory_space<vmem>> -> memref<1x128x128xf32, #tpu.memory_space<vmem>>
    %dma_start3A_132 = tpu.memref_squeeze %dma_start3A_131 : memref<1x128x128xf32, #tpu.memory_space<vmem>> -> memref<128x128xf32, #tpu.memory_space<vmem>>
    tpu.enqueue_dma source(%dma_start3A_132 : memref<128x128xf32, #tpu.memory_space<vmem>>) target(%dma_start3A_128 : memref<128x128xf32, #tpu.memory_space<hbm>>) target_semaphore(%arg10 : memref<!tpu.dma_semaphore, #tpu.memory_space<semaphore_mem>>)
    %add3A_133 = arith.constant 256 : i32
    %add3A_134 = arith.addi %sub3A_21, %add3A_133 : i32
    %dma_start3A_135 = arith.constant 0 : i32
    %dma_start3A_136 = arith.constant 0 : i32
    %dma_start3A_137 = arith.constant 0 : i32
    %dma_start3A_138 = tpu.memref_slice %arg5[%dma_start3A_135, %dma_start3A_136, %dma_start3A_137] : memref<2x128x128xf32, #tpu.memory_space<vmem>> -> memref<1x128x128xf32, #tpu.memory_space<vmem>>
    %dma_start3A_139 = tpu.memref_squeeze %dma_start3A_138 : memref<1x128x128xf32, #tpu.memory_space<vmem>> -> memref<128x128xf32, #tpu.memory_space<vmem>>
    %dma_start3A_140 = arith.constant 0 : i32
    %dma_start3A_141 = tpu.memref_slice %arg2[%select_n3A, %add3A_134, %dma_start3A_140] : memref<8x1536x128xf32, #tpu.memory_space<hbm>> -> memref<1x128x128xf32, #tpu.memory_space<hbm>>
    %dma_start3A_142 = tpu.memref_squeeze %dma_start3A_141 : memref<1x128x128xf32, #tpu.memory_space<hbm>> -> memref<128x128xf32, #tpu.memory_space<hbm>>
    %dma_start3A_143 = arith.constant 0 : i32
    %dma_start3A_144 = arith.constant 0 : i32
    %dma_start3A_145 = tpu.memref_slice %arg5[%dma_start3A_135, %dma_start3A_143, %dma_start3A_144] : memref<2x128x128xf32, #tpu.memory_space<vmem>> -> memref<1x128x128xf32, #tpu.memory_space<vmem>>
    %dma_start3A_146 = tpu.memref_squeeze %dma_start3A_145 : memref<1x128x128xf32, #tpu.memory_space<vmem>> -> memref<128x128xf32, #tpu.memory_space<vmem>>
    %dma_start3A_147 = arith.constant 0 : i32
    %dma_start3A_148 = tpu.memref_slice %arg2[%select_n3A, %add3A_134, %dma_start3A_147] : memref<8x1536x128xf32, #tpu.memory_space<hbm>> -> memref<1x128x128xf32, #tpu.memory_space<hbm>>
    %dma_start3A_149 = tpu.memref_squeeze %dma_start3A_148 : memref<1x128x128xf32, #tpu.memory_space<hbm>> -> memref<128x128xf32, #tpu.memory_space<hbm>>
    tpu.enqueue_dma source(%dma_start3A_149 : memref<128x128xf32, #tpu.memory_space<hbm>>) target(%dma_start3A_146 : memref<128x128xf32, #tpu.memory_space<vmem>>) target_semaphore(%arg8 : memref<!tpu.dma_semaphore, #tpu.memory_space<semaphore_mem>>)
    %dma_start3A_150 = arith.constant 0 : i32
    %dma_start3A_151 = arith.constant 0 : i32
    %dma_start3A_152 = arith.constant 0 : i32
    %dma_start3A_153 = tpu.memref_slice %arg6[%dma_start3A_150, %dma_start3A_151, %dma_start3A_152] : memref<2x128x128xf32, #tpu.memory_space<vmem>> -> memref<1x128x128xf32, #tpu.memory_space<vmem>>
    %dma_start3A_154 = tpu.memref_squeeze %dma_start3A_153 : memref<1x128x128xf32, #tpu.memory_space<vmem>> -> memref<128x128xf32, #tpu.memory_space<vmem>>
    %dma_start3A_155 = arith.constant 0 : i32
    %dma_start3A_156 = tpu.memref_slice %arg3[%select_n3A, %add3A_134, %dma_start3A_155] : memref<8x1536x128xf32, #tpu.memory_space<hbm>> -> memref<1x128x128xf32, #tpu.memory_space<hbm>>
    %dma_start3A_157 = tpu.memref_squeeze %dma_start3A_156 : memref<1x128x128xf32, #tpu.memory_space<hbm>> -> memref<128x128xf32, #tpu.memory_space<hbm>>
    %dma_start3A_158 = arith.constant 0 : i32
    %dma_start3A_159 = arith.constant 0 : i32
    %dma_start3A_160 = tpu.memref_slice %arg6[%dma_start3A_150, %dma_start3A_158, %dma_start3A_159] : memref<2x128x128xf32, #tpu.memory_space<vmem>> -> memref<1x128x128xf32, #tpu.memory_space<vmem>>
    %dma_start3A_161 = tpu.memref_squeeze %dma_start3A_160 : memref<1x128x128xf32, #tpu.memory_space<vmem>> -> memref<128x128xf32, #tpu.memory_space<vmem>>
    %dma_start3A_162 = arith.constant 0 : i32
    %dma_start3A_163 = tpu.memref_slice %arg3[%select_n3A, %add3A_134, %dma_start3A_162] : memref<8x1536x128xf32, #tpu.memory_space<hbm>> -> memref<1x128x128xf32, #tpu.memory_space<hbm>>
    %dma_start3A_164 = tpu.memref_squeeze %dma_start3A_163 : memref<1x128x128xf32, #tpu.memory_space<hbm>> -> memref<128x128xf32, #tpu.memory_space<hbm>>
    tpu.enqueue_dma source(%dma_start3A_164 : memref<128x128xf32, #tpu.memory_space<hbm>>) target(%dma_start3A_161 : memref<128x128xf32, #tpu.memory_space<vmem>>) target_semaphore(%arg8 : memref<!tpu.dma_semaphore, #tpu.memory_space<semaphore_mem>>)
    %dma_wait3A_165 = arith.constant 1 : i32
    %dma_wait3A_166 = arith.constant 0 : i32
    %dma_wait3A_167 = arith.constant 0 : i32
    %dma_wait3A_168 = tpu.memref_slice %arg5[%dma_wait3A_165, %dma_wait3A_166, %dma_wait3A_167] : memref<2x128x128xf32, #tpu.memory_space<vmem>> -> memref<1x128x128xf32, #tpu.memory_space<vmem>>
    %dma_wait3A_169 = tpu.memref_squeeze %dma_wait3A_168 : memref<1x128x128xf32, #tpu.memory_space<vmem>> -> memref<128x128xf32, #tpu.memory_space<vmem>>
    %dma_wait3A_170 = arith.constant 0 : i32
    %dma_wait3A_171 = tpu.memref_slice %arg2[%select_n3A, %add3A_54, %dma_wait3A_170] : memref<8x1536x128xf32, #tpu.memory_space<hbm>> -> memref<1x128x128xf32, #tpu.memory_space<hbm>>
    %dma_wait3A_172 = tpu.memref_squeeze %dma_wait3A_171 : memref<1x128x128xf32, #tpu.memory_space<hbm>> -> memref<128x128xf32, #tpu.memory_space<hbm>>
    %dma_wait3A_173 = arith.constant 0 : i32
    %dma_wait3A_174 = arith.constant 0 : i32
    %dma_wait3A_175 = tpu.memref_slice %arg5[%dma_wait3A_165, %dma_wait3A_173, %dma_wait3A_174] : memref<2x128x128xf32, #tpu.memory_space<vmem>> -> memref<1x128x128xf32, #tpu.memory_space<vmem>>
    %dma_wait3A_176 = tpu.memref_squeeze %dma_wait3A_175 : memref<1x128x128xf32, #tpu.memory_space<vmem>> -> memref<128x128xf32, #tpu.memory_space<vmem>>
    %dma_wait3A_177 = arith.constant 0 : i32
    %dma_wait3A_178 = tpu.memref_slice %arg2[%select_n3A, %add3A_54, %dma_wait3A_177] : memref<8x1536x128xf32, #tpu.memory_space<hbm>> -> memref<1x128x128xf32, #tpu.memory_space<hbm>>
    %dma_wait3A_179 = tpu.memref_squeeze %dma_wait3A_178 : memref<1x128x128xf32, #tpu.memory_space<hbm>> -> memref<128x128xf32, #tpu.memory_space<hbm>>
    tpu.wait_dma2 semaphore(%arg9 : memref<!tpu.dma_semaphore, #tpu.memory_space<semaphore_mem>>) src(%dma_wait3A_179 : memref<128x128xf32, #tpu.memory_space<hbm>>) dst(%dma_wait3A_176 : memref<128x128xf32, #tpu.memory_space<vmem>>)
    %dma_wait3A_180 = arith.constant 1 : i32
    %dma_wait3A_181 = arith.constant 0 : i32
    %dma_wait3A_182 = arith.constant 0 : i32
    %dma_wait3A_183 = tpu.memref_slice %arg6[%dma_wait3A_180, %dma_wait3A_181, %dma_wait3A_182] : memref<2x128x128xf32, #tpu.memory_space<vmem>> -> memref<1x128x128xf32, #tpu.memory_space<vmem>>
    %dma_wait3A_184 = tpu.memref_squeeze %dma_wait3A_183 : memref<1x128x128xf32, #tpu.memory_space<vmem>> -> memref<128x128xf32, #tpu.memory_space<vmem>>
    %dma_wait3A_185 = arith.constant 0 : i32
    %dma_wait3A_186 = tpu.memref_slice %arg3[%select_n3A, %add3A_54, %dma_wait3A_185] : memref<8x1536x128xf32, #tpu.memory_space<hbm>> -> memref<1x128x128xf32, #tpu.memory_space<hbm>>
    %dma_wait3A_187 = tpu.memref_squeeze %dma_wait3A_186 : memref<1x128x128xf32, #tpu.memory_space<hbm>> -> memref<128x128xf32, #tpu.memory_space<hbm>>
    %dma_wait3A_188 = arith.constant 0 : i32
    %dma_wait3A_189 = arith.constant 0 : i32
    %dma_wait3A_190 = tpu.memref_slice %arg6[%dma_wait3A_180, %dma_wait3A_188, %dma_wait3A_189] : memref<2x128x128xf32, #tpu.memory_space<vmem>> -> memref<1x128x128xf32, #tpu.memory_space<vmem>>
    %dma_wait3A_191 = tpu.memref_squeeze %dma_wait3A_190 : memref<1x128x128xf32, #tpu.memory_space<vmem>> -> memref<128x128xf32, #tpu.memory_space<vmem>>
    %dma_wait3A_192 = arith.constant 0 : i32
    %dma_wait3A_193 = tpu.memref_slice %arg3[%select_n3A, %add3A_54, %dma_wait3A_192] : memref<8x1536x128xf32, #tpu.memory_space<hbm>> -> memref<1x128x128xf32, #tpu.memory_space<hbm>>
    %dma_wait3A_194 = tpu.memref_squeeze %dma_wait3A_193 : memref<1x128x128xf32, #tpu.memory_space<hbm>> -> memref<128x128xf32, #tpu.memory_space<hbm>>
    tpu.wait_dma2 semaphore(%arg9 : memref<!tpu.dma_semaphore, #tpu.memory_space<semaphore_mem>>) src(%dma_wait3A_194 : memref<128x128xf32, #tpu.memory_space<hbm>>) dst(%dma_wait3A_191 : memref<128x128xf32, #tpu.memory_space<vmem>>)
    %parallel_loop3A_195 = arith.constant 0 : i32
    %parallel_loop3A_196 = arith.constant 128 : i32
    %parallel_loop3A_197 = arith.constant 1 : i32
    scf.for %parallel_loop3A_310 = %parallel_loop3A_195 to %parallel_loop3A_196 step %parallel_loop3A_197  : i32 {
      %parallel_loop3A_311 = arith.constant 1 : i32
      %parallel_loop3A_312 = arith.index_cast %parallel_loop3A_311 : i32 to index
      %parallel_loop3A_313 = arith.index_cast %parallel_loop3A_310 : i32 to index
      %parallel_loop3A_314 = arith.constant 0 : index
      %parallel_loop3A_315 = tpu.vector_load %arg6[%parallel_loop3A_312, %parallel_loop3A_313, %parallel_loop3A_314] {strides = array<i32>} : memref<2x128x128xf32, #tpu.memory_space<vmem>>, vector<1x1x16xf32>,
      %parallel_loop3A_316 = vector.shape_cast %parallel_loop3A_315 : vector<1x1x16xf32> to vector<16xf32>
      %parallel_loop3A_317 = arith.constant 1 : i32
      %parallel_loop3A_318 = arith.index_cast %parallel_loop3A_317 : i32 to index
      %parallel_loop3A_319 = arith.index_cast %parallel_loop3A_310 : i32 to index
      %parallel_loop3A_320 = arith.constant 0 : index
      %parallel_loop3A_321 = tpu.vector_load %arg5[%parallel_loop3A_318, %parallel_loop3A_319, %parallel_loop3A_320] {strides = array<i32>} : memref<2x128x128xf32, #tpu.memory_space<vmem>>, vector<1x1x16xf32>,
      %parallel_loop3A_322 = vector.shape_cast %parallel_loop3A_321 : vector<1x1x16xf32> to vector<16xf32>
      %parallel_loop3A_323 = arith.subf %parallel_loop3A_322, %parallel_loop3A_316 : vector<16xf32>
      %parallel_loop3A_324 = arith.constant 0x4B400000 : f32
      %parallel_loop3A_325 = vector.broadcast %parallel_loop3A_324 : f32 to vector<16xf32>
      %parallel_loop3A_326 = arith.addf %parallel_loop3A_323, %parallel_loop3A_325 : vector<16xf32>
      %parallel_loop3A_327 = arith.constant 0x4B400000 : f32
      %parallel_loop3A_328 = vector.broadcast %parallel_loop3A_327 : f32 to vector<16xf32>
      %parallel_loop3A_329 = arith.subf %parallel_loop3A_326, %parallel_loop3A_328 : vector<16xf32>
      %parallel_loop3A_330 = math.absf %parallel_loop3A_323 : vector<16xf32>
      %parallel_loop3A_331 = arith.constant 0x4B000000 : f32
      %parallel_loop3A_332 = vector.broadcast %parallel_loop3A_331 : f32 to vector<16xf32>
      %parallel_loop3A_333 = arith.cmpf oge, %parallel_loop3A_330, %parallel_loop3A_332 : vector<16xf32>
      %parallel_loop3A_334 = arith.select %parallel_loop3A_333, %parallel_loop3A_323, %parallel_loop3A_329 : vector<16xi1>, vector<16xf32>
      %parallel_loop3A_335 = arith.addf %parallel_loop3A_334, %parallel_loop3A_316 : vector<16xf32>
      %parallel_loop3A_336 = arith.constant 1 : i32
      %parallel_loop3A_337 = arith.index_cast %parallel_loop3A_336 : i32 to index
      %parallel_loop3A_338 = arith.index_cast %parallel_loop3A_310 : i32 to index
      %parallel_loop3A_339 = arith.constant 0 : index
      %parallel_loop3A_340 = tpu.vector_load %arg7[%parallel_loop3A_337, %parallel_loop3A_338, %parallel_loop3A_339] {strides = array<i32>} : memref<2x128x128xf32, #tpu.memory_space<vmem>>, vector<1x1x16xf32>,
      %parallel_loop3A_341 = vector.shape_cast %parallel_loop3A_340 : vector<1x1x16xf32> to vector<16xf32>
      %parallel_loop3A_342 = vector.shape_cast %parallel_loop3A_335 : vector<16xf32> to vector<1x1x16xf32>
      tpu.vector_store %arg7[%parallel_loop3A_337, %parallel_loop3A_338, %parallel_loop3A_339], %parallel_loop3A_342 {strides = array<i32>} : memref<2x128x128xf32, #tpu.memory_space<vmem>>, vector<1x1x16xf32>,
      %parallel_loop3A_343 = arith.constant 1 : i32
      %parallel_loop3A_344 = arith.index_cast %parallel_loop3A_343 : i32 to index
      %parallel_loop3A_345 = arith.index_cast %parallel_loop3A_310 : i32 to index
      %parallel_loop3A_346 = arith.constant 16 : index
      %parallel_loop3A_347 = tpu.vector_load %arg6[%parallel_loop3A_344, %parallel_loop3A_345, %parallel_loop3A_346] {strides = array<i32>} : memref<2x128x128xf32, #tpu.memory_space<vmem>>, vector<1x1x16xf32>,
      %parallel_loop3A_348 = vector.shape_cast %parallel_loop3A_347 : vector<1x1x16xf32> to vector<16xf32>
      %parallel_loop3A_349 = arith.constant 1 : i32
      %parallel_loop3A_350 = arith.index_cast %parallel_loop3A_349 : i32 to index
      %parallel_loop3A_351 = arith.index_cast %parallel_loop3A_310 : i32 to index
      %parallel_loop3A_352 = arith.constant 16 : index
      %parallel_loop3A_353 = tpu.vector_load %arg5[%parallel_loop3A_350, %parallel_loop3A_351, %parallel_loop3A_352] {strides = array<i32>} : memref<2x128x128xf32, #tpu.memory_space<vmem>>, vector<1x1x16xf32>,
      %parallel_loop3A_354 = vector.shape_cast %parallel_loop3A_353 : vector<1x1x16xf32> to vector<16xf32>
      %parallel_loop3A_355 = arith.subf %parallel_loop3A_354, %parallel_loop3A_348 : vector<16xf32>
      %parallel_loop3A_356 = arith.constant 0x4B400000 : f32
      %parallel_loop3A_357 = vector.broadcast %parallel_loop3A_356 : f32 to vector<16xf32>
      %parallel_loop3A_358 = arith.addf %parallel_loop3A_355, %parallel_loop3A_357 : vector<16xf32>
      %parallel_loop3A_359 = arith.constant 0x4B400000 : f32
      %parallel_loop3A_360 = vector.broadcast %parallel_loop3A_359 : f32 to vector<16xf32>
      %parallel_loop3A_361 = arith.subf %parallel_loop3A_358, %parallel_loop3A_360 : vector<16xf32>
      %parallel_loop3A_362 = math.absf %parallel_loop3A_355 : vector<16xf32>
      %parallel_loop3A_363 = arith.constant 0x4B000000 : f32
      %parallel_loop3A_364 = vector.broadcast %parallel_loop3A_363 : f32 to vector<16xf32>
      %parallel_loop3A_365 = arith.cmpf oge, %parallel_loop3A_362, %parallel_loop3A_364 : vector<16xf32>
      %parallel_loop3A_366 = arith.select %parallel_loop3A_365, %parallel_loop3A_355, %parallel_loop3A_361 : vector<16xi1>, vector<16xf32>
      %parallel_loop3A_367 = arith.addf %parallel_loop3A_366, %parallel_loop3A_348 : vector<16xf32>
      %parallel_loop3A_368 = arith.constant 1 : i32
      %parallel_loop3A_369 = arith.index_cast %parallel_loop3A_368 : i32 to index
      %parallel_loop3A_370 = arith.index_cast %parallel_loop3A_310 : i32 to index
      %parallel_loop3A_371 = arith.constant 16 : index
      %parallel_loop3A_372 = tpu.vector_load %arg7[%parallel_loop3A_369, %parallel_loop3A_370, %parallel_loop3A_371] {strides = array<i32>} : memref<2x128x128xf32, #tpu.memory_space<vmem>>, vector<1x1x16xf32>,
      %parallel_loop3A_373 = vector.shape_cast %parallel_loop3A_372 : vector<1x1x16xf32> to vector<16xf32>
      %parallel_loop3A_374 = vector.shape_cast %parallel_loop3A_367 : vector<16xf32> to vector<1x1x16xf32>
      tpu.vector_store %arg7[%parallel_loop3A_369, %parallel_loop3A_370, %parallel_loop3A_371], %parallel_loop3A_374 {strides = array<i32>} : memref<2x128x128xf32, #tpu.memory_space<vmem>>, vector<1x1x16xf32>,
      %parallel_loop3A_375 = arith.constant 1 : i32
      %parallel_loop3A_376 = arith.index_cast %parallel_loop3A_375 : i32 to index
      %parallel_loop3A_377 = arith.index_cast %parallel_loop3A_310 : i32 to index
      %parallel_loop3A_378 = arith.constant 32 : index
      %parallel_loop3A_379 = tpu.vector_load %arg6[%parallel_loop3A_376, %parallel_loop3A_377, %parallel_loop3A_378] {strides = array<i32>} : memref<2x128x128xf32, #tpu.memory_space<vmem>>, vector<1x1x16xf32>,
      %parallel_loop3A_380 = vector.shape_cast %parallel_loop3A_379 : vector<1x1x16xf32> to vector<16xf32>
      %parallel_loop3A_381 = arith.constant 1 : i32
      %parallel_loop3A_382 = arith.index_cast %parallel_loop3A_381 : i32 to index
      %parallel_loop3A_383 = arith.index_cast %parallel_loop3A_310 : i32 to index
      %parallel_loop3A_384 = arith.constant 32 : index
      %parallel_loop3A_385 = tpu.vector_load %arg5[%parallel_loop3A_382, %parallel_loop3A_383, %parallel_loop3A_384] {strides = array<i32>} : memref<2x128x128xf32, #tpu.memory_space<vmem>>, vector<1x1x16xf32>,
      %parallel_loop3A_386 = vector.shape_cast %parallel_loop3A_385 : vector<1x1x16xf32> to vector<16xf32>
      %parallel_loop3A_387 = arith.subf %parallel_loop3A_386, %parallel_loop3A_380 : vector<16xf32>
      %parallel_loop3A_388 = arith.constant 0x4B400000 : f32
      %parallel_loop3A_389 = vector.broadcast %parallel_loop3A_388 : f32 to vector<16xf32>
      %parallel_loop3A_390 = arith.addf %parallel_loop3A_387, %parallel_loop3A_389 : vector<16xf32>
      %parallel_loop3A_391 = arith.constant 0x4B400000 : f32
      %parallel_loop3A_392 = vector.broadcast %parallel_loop3A_391 : f32 to vector<16xf32>
      %parallel_loop3A_393 = arith.subf %parallel_loop3A_390, %parallel_loop3A_392 : vector<16xf32>
      %parallel_loop3A_394 = math.absf %parallel_loop3A_387 : vector<16xf32>
      %parallel_loop3A_395 = arith.constant 0x4B000000 : f32
      %parallel_loop3A_396 = vector.broadcast %parallel_loop3A_395 : f32 to vector<16xf32>
      %parallel_loop3A_397 = arith.cmpf oge, %parallel_loop3A_394, %parallel_loop3A_396 : vector<16xf32>
      %parallel_loop3A_398 = arith.select %parallel_loop3A_397, %parallel_loop3A_387, %parallel_loop3A_393 : vector<16xi1>, vector<16xf32>
      %parallel_loop3A_399 = arith.addf %parallel_loop3A_398, %parallel_loop3A_380 : vector<16xf32>
      %parallel_loop3A_400 = arith.constant 1 : i32
      %parallel_loop3A_401 = arith.index_cast %parallel_loop3A_400 : i32 to index
      %parallel_loop3A_402 = arith.index_cast %parallel_loop3A_310 : i32 to index
      %parallel_loop3A_403 = arith.constant 32 : index
      %parallel_loop3A_404 = tpu.vector_load %arg7[%parallel_loop3A_401, %parallel_loop3A_402, %parallel_loop3A_403] {strides = array<i32>} : memref<2x128x128xf32, #tpu.memory_space<vmem>>, vector<1x1x16xf32>,
      %parallel_loop3A_405 = vector.shape_cast %parallel_loop3A_404 : vector<1x1x16xf32> to vector<16xf32>
      %parallel_loop3A_406 = vector.shape_cast %parallel_loop3A_399 : vector<16xf32> to vector<1x1x16xf32>
      tpu.vector_store %arg7[%parallel_loop3A_401, %parallel_loop3A_402, %parallel_loop3A_403], %parallel_loop3A_406 {strides = array<i32>} : memref<2x128x128xf32, #tpu.memory_space<vmem>>, vector<1x1x16xf32>,
      %parallel_loop3A_407 = arith.constant 1 : i32
      %parallel_loop3A_408 = arith.index_cast %parallel_loop3A_407 : i32 to index
      %parallel_loop3A_409 = arith.index_cast %parallel_loop3A_310 : i32 to index
      %parallel_loop3A_410 = arith.constant 48 : index
      %parallel_loop3A_411 = tpu.vector_load %arg6[%parallel_loop3A_408, %parallel_loop3A_409, %parallel_loop3A_410] {strides = array<i32>} : memref<2x128x128xf32, #tpu.memory_space<vmem>>, vector<1x1x16xf32>,
      %parallel_loop3A_412 = vector.shape_cast %parallel_loop3A_411 : vector<1x1x16xf32> to vector<16xf32>
      %parallel_loop3A_413 = arith.constant 1 : i32
      %parallel_loop3A_414 = arith.index_cast %parallel_loop3A_413 : i32 to index
      %parallel_loop3A_415 = arith.index_cast %parallel_loop3A_310 : i32 to index
      %parallel_loop3A_416 = arith.constant 48 : index
      %parallel_loop3A_417 = tpu.vector_load %arg5[%parallel_loop3A_414, %parallel_loop3A_415, %parallel_loop3A_416] {strides = array<i32>} : memref<2x128x128xf32, #tpu.memory_space<vmem>>, vector<1x1x16xf32>,
      %parallel_loop3A_418 = vector.shape_cast %parallel_loop3A_417 : vector<1x1x16xf32> to vector<16xf32>
      %parallel_loop3A_419 = arith.subf %parallel_loop3A_418, %parallel_loop3A_412 : vector<16xf32>
      %parallel_loop3A_420 = arith.constant 0x4B400000 : f32
      %parallel_loop3A_421 = vector.broadcast %parallel_loop3A_420 : f32 to vector<16xf32>
      %parallel_loop3A_422 = arith.addf %parallel_loop3A_419, %parallel_loop3A_421 : vector<16xf32>
      %parallel_loop3A_423 = arith.constant 0x4B400000 : f32
      %parallel_loop3A_424 = vector.broadcast %parallel_loop3A_423 : f32 to vector<16xf32>
      %parallel_loop3A_425 = arith.subf %parallel_loop3A_422, %parallel_loop3A_424 : vector<16xf32>
      %parallel_loop3A_426 = math.absf %parallel_loop3A_419 : vector<16xf32>
      %parallel_loop3A_427 = arith.constant 0x4B000000 : f32
      %parallel_loop3A_428 = vector.broadcast %parallel_loop3A_427 : f32 to vector<16xf32>
      %parallel_loop3A_429 = arith.cmpf oge, %parallel_loop3A_426, %parallel_loop3A_428 : vector<16xf32>
      %parallel_loop3A_430 = arith.select %parallel_loop3A_429, %parallel_loop3A_419, %parallel_loop3A_425 : vector<16xi1>, vector<16xf32>
      %parallel_loop3A_431 = arith.addf %parallel_loop3A_430, %parallel_loop3A_412 : vector<16xf32>
      %parallel_loop3A_432 = arith.constant 1 : i32
      %parallel_loop3A_433 = arith.index_cast %parallel_loop3A_432 : i32 to index
      %parallel_loop3A_434 = arith.index_cast %parallel_loop3A_310 : i32 to index
      %parallel_loop3A_435 = arith.constant 48 : index
      %parallel_loop3A_436 = tpu.vector_load %arg7[%parallel_loop3A_433, %parallel_loop3A_434, %parallel_loop3A_435] {strides = array<i32>} : memref<2x128x128xf32, #tpu.memory_space<vmem>>, vector<1x1x16xf32>,
      %parallel_loop3A_437 = vector.shape_cast %parallel_loop3A_436 : vector<1x1x16xf32> to vector<16xf32>
      %parallel_loop3A_438 = vector.shape_cast %parallel_loop3A_431 : vector<16xf32> to vector<1x1x16xf32>
      tpu.vector_store %arg7[%parallel_loop3A_433, %parallel_loop3A_434, %parallel_loop3A_435], %parallel_loop3A_438 {strides = array<i32>} : memref<2x128x128xf32, #tpu.memory_space<vmem>>, vector<1x1x16xf32>,
      %parallel_loop3A_439 = arith.constant 1 : i32
      %parallel_loop3A_440 = arith.index_cast %parallel_loop3A_439 : i32 to index
      %parallel_loop3A_441 = arith.index_cast %parallel_loop3A_310 : i32 to index
      %parallel_loop3A_442 = arith.constant 64 : index
      %parallel_loop3A_443 = tpu.vector_load %arg6[%parallel_loop3A_440, %parallel_loop3A_441, %parallel_loop3A_442] {strides = array<i32>} : memref<2x128x128xf32, #tpu.memory_space<vmem>>, vector<1x1x16xf32>,
      %parallel_loop3A_444 = vector.shape_cast %parallel_loop3A_443 : vector<1x1x16xf32> to vector<16xf32>
      %parallel_loop3A_445 = arith.constant 1 : i32
      %parallel_loop3A_446 = arith.index_cast %parallel_loop3A_445 : i32 to index
      %parallel_loop3A_447 = arith.index_cast %parallel_loop3A_310 : i32 to index
      %parallel_loop3A_448 = arith.constant 64 : index
      %parallel_loop3A_449 = tpu.vector_load %arg5[%parallel_loop3A_446, %parallel_loop3A_447, %parallel_loop3A_448] {strides = array<i32>} : memref<2x128x128xf32, #tpu.memory_space<vmem>>, vector<1x1x16xf32>,
      %parallel_loop3A_450 = vector.shape_cast %parallel_loop3A_449 : vector<1x1x16xf32> to vector<16xf32>
      %parallel_loop3A_451 = arith.subf %parallel_loop3A_450, %parallel_loop3A_444 : vector<16xf32>
      %parallel_loop3A_452 = arith.constant 0x4B400000 : f32
      %parallel_loop3A_453 = vector.broadcast %parallel_loop3A_452 : f32 to vector<16xf32>
      %parallel_loop3A_454 = arith.addf %parallel_loop3A_451, %parallel_loop3A_453 : vector<16xf32>
      %parallel_loop3A_455 = arith.constant 0x4B400000 : f32
      %parallel_loop3A_456 = vector.broadcast %parallel_loop3A_455 : f32 to vector<16xf32>
      %parallel_loop3A_457 = arith.subf %parallel_loop3A_454, %parallel_loop3A_456 : vector<16xf32>
      %parallel_loop3A_458 = math.absf %parallel_loop3A_451 : vector<16xf32>
      %parallel_loop3A_459 = arith.constant 0x4B000000 : f32
      %parallel_loop3A_460 = vector.broadcast %parallel_loop3A_459 : f32 to vector<16xf32>
      %parallel_loop3A_461 = arith.cmpf oge, %parallel_loop3A_458, %parallel_loop3A_460 : vector<16xf32>
      %parallel_loop3A_462 = arith.select %parallel_loop3A_461, %parallel_loop3A_451, %parallel_loop3A_457 : vector<16xi1>, vector<16xf32>
      %parallel_loop3A_463 = arith.addf %parallel_loop3A_462, %parallel_loop3A_444 : vector<16xf32>
      %parallel_loop3A_464 = arith.constant 1 : i32
      %parallel_loop3A_465 = arith.index_cast %parallel_loop3A_464 : i32 to index
      %parallel_loop3A_466 = arith.index_cast %parallel_loop3A_310 : i32 to index
      %parallel_loop3A_467 = arith.constant 64 : index
      %parallel_loop3A_468 = tpu.vector_load %arg7[%parallel_loop3A_465, %parallel_loop3A_466, %parallel_loop3A_467] {strides = array<i32>} : memref<2x128x128xf32, #tpu.memory_space<vmem>>, vector<1x1x16xf32>,
      %parallel_loop3A_469 = vector.shape_cast %parallel_loop3A_468 : vector<1x1x16xf32> to vector<16xf32>
      %parallel_loop3A_470 = vector.shape_cast %parallel_loop3A_463 : vector<16xf32> to vector<1x1x16xf32>
      tpu.vector_store %arg7[%parallel_loop3A_465, %parallel_loop3A_466, %parallel_loop3A_467], %parallel_loop3A_470 {strides = array<i32>} : memref<2x128x128xf32, #tpu.memory_space<vmem>>, vector<1x1x16xf32>,
      %parallel_loop3A_471 = arith.constant 1 : i32
      %parallel_loop3A_472 = arith.index_cast %parallel_loop3A_471 : i32 to index
      %parallel_loop3A_473 = arith.index_cast %parallel_loop3A_310 : i32 to index
      %parallel_loop3A_474 = arith.constant 80 : index
      %parallel_loop3A_475 = tpu.vector_load %arg6[%parallel_loop3A_472, %parallel_loop3A_473, %parallel_loop3A_474] {strides = array<i32>} : memref<2x128x128xf32, #tpu.memory_space<vmem>>, vector<1x1x16xf32>,
      %parallel_loop3A_476 = vector.shape_cast %parallel_loop3A_475 : vector<1x1x16xf32> to vector<16xf32>
      %parallel_loop3A_477 = arith.constant 1 : i32
      %parallel_loop3A_478 = arith.index_cast %parallel_loop3A_477 : i32 to index
      %parallel_loop3A_479 = arith.index_cast %parallel_loop3A_310 : i32 to index
      %parallel_loop3A_480 = arith.constant 80 : index
      %parallel_loop3A_481 = tpu.vector_load %arg5[%parallel_loop3A_478, %parallel_loop3A_479, %parallel_loop3A_480] {strides = array<i32>} : memref<2x128x128xf32, #tpu.memory_space<vmem>>, vector<1x1x16xf32>,
      %parallel_loop3A_482 = vector.shape_cast %parallel_loop3A_481 : vector<1x1x16xf32> to vector<16xf32>
      %parallel_loop3A_483 = arith.subf %parallel_loop3A_482, %parallel_loop3A_476 : vector<16xf32>
      %parallel_loop3A_484 = arith.constant 0x4B400000 : f32
      %parallel_loop3A_485 = vector.broadcast %parallel_loop3A_484 : f32 to vector<16xf32>
      %parallel_loop3A_486 = arith.addf %parallel_loop3A_483, %parallel_loop3A_485 : vector<16xf32>
      %parallel_loop3A_487 = arith.constant 0x4B400000 : f32
      %parallel_loop3A_488 = vector.broadcast %parallel_loop3A_487 : f32 to vector<16xf32>
      %parallel_loop3A_489 = arith.subf %parallel_loop3A_486, %parallel_loop3A_488 : vector<16xf32>
      %parallel_loop3A_490 = math.absf %parallel_loop3A_483 : vector<16xf32>
      %parallel_loop3A_491 = arith.constant 0x4B000000 : f32
      %parallel_loop3A_492 = vector.broadcast %parallel_loop3A_491 : f32 to vector<16xf32>
      %parallel_loop3A_493 = arith.cmpf oge, %parallel_loop3A_490, %parallel_loop3A_492 : vector<16xf32>
      %parallel_loop3A_494 = arith.select %parallel_loop3A_493, %parallel_loop3A_483, %parallel_loop3A_489 : vector<16xi1>, vector<16xf32>
      %parallel_loop3A_495 = arith.addf %parallel_loop3A_494, %parallel_loop3A_476 : vector<16xf32>
      %parallel_loop3A_496 = arith.constant 1 : i32
      %parallel_loop3A_497 = arith.index_cast %parallel_loop3A_496 : i32 to index
      %parallel_loop3A_498 = arith.index_cast %parallel_loop3A_310 : i32 to index
      %parallel_loop3A_499 = arith.constant 80 : index
      %parallel_loop3A_500 = tpu.vector_load %arg7[%parallel_loop3A_497, %parallel_loop3A_498, %parallel_loop3A_499] {strides = array<i32>} : memref<2x128x128xf32, #tpu.memory_space<vmem>>, vector<1x1x16xf32>,
      %parallel_loop3A_501 = vector.shape_cast %parallel_loop3A_500 : vector<1x1x16xf32> to vector<16xf32>
      %parallel_loop3A_502 = vector.shape_cast %parallel_loop3A_495 : vector<16xf32> to vector<1x1x16xf32>
      tpu.vector_store %arg7[%parallel_loop3A_497, %parallel_loop3A_498, %parallel_loop3A_499], %parallel_loop3A_502 {strides = array<i32>} : memref<2x128x128xf32, #tpu.memory_space<vmem>>, vector<1x1x16xf32>,
      %parallel_loop3A_503 = arith.constant 1 : i32
      %parallel_loop3A_504 = arith.index_cast %parallel_loop3A_503 : i32 to index
      %parallel_loop3A_505 = arith.index_cast %parallel_loop3A_310 : i32 to index
      %parallel_loop3A_506 = arith.constant 96 : index
      %parallel_loop3A_507 = tpu.vector_load %arg6[%parallel_loop3A_504, %parallel_loop3A_505, %parallel_loop3A_506] {strides = array<i32>} : memref<2x128x128xf32, #tpu.memory_space<vmem>>, vector<1x1x16xf32>,
      %parallel_loop3A_508 = vector.shape_cast %parallel_loop3A_507 : vector<1x1x16xf32> to vector<16xf32>
      %parallel_loop3A_509 = arith.constant 1 : i32
      %parallel_loop3A_510 = arith.index_cast %parallel_loop3A_509 : i32 to index
      %parallel_loop3A_511 = arith.index_cast %parallel_loop3A_310 : i32 to index
      %parallel_loop3A_512 = arith.constant 96 : index
      %parallel_loop3A_513 = tpu.vector_load %arg5[%parallel_loop3A_510, %parallel_loop3A_511, %parallel_loop3A_512] {strides = array<i32>} : memref<2x128x128xf32, #tpu.memory_space<vmem>>, vector<1x1x16xf32>,
      %parallel_loop3A_514 = vector.shape_cast %parallel_loop3A_513 : vector<1x1x16xf32> to vector<16xf32>
      %parallel_loop3A_515 = arith.subf %parallel_loop3A_514, %parallel_loop3A_508 : vector<16xf32>
      %parallel_loop3A_516 = arith.constant 0x4B400000 : f32
      %parallel_loop3A_517 = vector.broadcast %parallel_loop3A_516 : f32 to vector<16xf32>
      %parallel_loop3A_518 = arith.addf %parallel_loop3A_515, %parallel_loop3A_517 : vector<16xf32>
      %parallel_loop3A_519 = arith.constant 0x4B400000 : f32
      %parallel_loop3A_520 = vector.broadcast %parallel_loop3A_519 : f32 to vector<16xf32>
      %parallel_loop3A_521 = arith.subf %parallel_loop3A_518, %parallel_loop3A_520 : vector<16xf32>
      %parallel_loop3A_522 = math.absf %parallel_loop3A_515 : vector<16xf32>
      %parallel_loop3A_523 = arith.constant 0x4B000000 : f32
      %parallel_loop3A_524 = vector.broadcast %parallel_loop3A_523 : f32 to vector<16xf32>
      %parallel_loop3A_525 = arith.cmpf oge, %parallel_loop3A_522, %parallel_loop3A_524 : vector<16xf32>
      %parallel_loop3A_526 = arith.select %parallel_loop3A_525, %parallel_loop3A_515, %parallel_loop3A_521 : vector<16xi1>, vector<16xf32>
      %parallel_loop3A_527 = arith.addf %parallel_loop3A_526, %parallel_loop3A_508 : vector<16xf32>
      %parallel_loop3A_528 = arith.constant 1 : i32
      %parallel_loop3A_529 = arith.index_cast %parallel_loop3A_528 : i32 to index
      %parallel_loop3A_530 = arith.index_cast %parallel_loop3A_310 : i32 to index
      %parallel_loop3A_531 = arith.constant 96 : index
      %parallel_loop3A_532 = tpu.vector_load %arg7[%parallel_loop3A_529, %parallel_loop3A_530, %parallel_loop3A_531] {strides = array<i32>} : memref<2x128x128xf32, #tpu.memory_space<vmem>>, vector<1x1x16xf32>,
      %parallel_loop3A_533 = vector.shape_cast %parallel_loop3A_532 : vector<1x1x16xf32> to vector<16xf32>
      %parallel_loop3A_534 = vector.shape_cast %parallel_loop3A_527 : vector<16xf32> to vector<1x1x16xf32>
      tpu.vector_store %arg7[%parallel_loop3A_529, %parallel_loop3A_530, %parallel_loop3A_531], %parallel_loop3A_534 {strides = array<i32>} : memref<2x128x128xf32, #tpu.memory_space<vmem>>, vector<1x1x16xf32>,
      %parallel_loop3A_535 = arith.constant 1 : i32
      %parallel_loop3A_536 = arith.index_cast %parallel_loop3A_535 : i32 to index
      %parallel_loop3A_537 = arith.index_cast %parallel_loop3A_310 : i32 to index
      %parallel_loop3A_538 = arith.constant 112 : index
      %parallel_loop3A_539 = tpu.vector_load %arg6[%parallel_loop3A_536, %parallel_loop3A_537, %parallel_loop3A_538] {strides = array<i32>} : memref<2x128x128xf32, #tpu.memory_space<vmem>>, vector<1x1x16xf32>,
      %parallel_loop3A_540 = vector.shape_cast %parallel_loop3A_539 : vector<1x1x16xf32> to vector<16xf32>
      %parallel_loop3A_541 = arith.constant 1 : i32
      %parallel_loop3A_542 = arith.index_cast %parallel_loop3A_541 : i32 to index
      %parallel_loop3A_543 = arith.index_cast %parallel_loop3A_310 : i32 to index
      %parallel_loop3A_544 = arith.constant 112 : index
      %parallel_loop3A_545 = tpu.vector_load %arg5[%parallel_loop3A_542, %parallel_loop3A_543, %parallel_loop3A_544] {strides = array<i32>} : memref<2x128x128xf32, #tpu.memory_space<vmem>>, vector<1x1x16xf32>,
      %parallel_loop3A_546 = vector.shape_cast %parallel_loop3A_545 : vector<1x1x16xf32> to vector<16xf32>
      %parallel_loop3A_547 = arith.subf %parallel_loop3A_546, %parallel_loop3A_540 : vector<16xf32>
      %parallel_loop3A_548 = arith.constant 0x4B400000 : f32
      %parallel_loop3A_549 = vector.broadcast %parallel_loop3A_548 : f32 to vector<16xf32>
      %parallel_loop3A_550 = arith.addf %parallel_loop3A_547, %parallel_loop3A_549 : vector<16xf32>
      %parallel_loop3A_551 = arith.constant 0x4B400000 : f32
      %parallel_loop3A_552 = vector.broadcast %parallel_loop3A_551 : f32 to vector<16xf32>
      %parallel_loop3A_553 = arith.subf %parallel_loop3A_550, %parallel_loop3A_552 : vector<16xf32>
      %parallel_loop3A_554 = math.absf %parallel_loop3A_547 : vector<16xf32>
      %parallel_loop3A_555 = arith.constant 0x4B000000 : f32
      %parallel_loop3A_556 = vector.broadcast %parallel_loop3A_555 : f32 to vector<16xf32>
      %parallel_loop3A_557 = arith.cmpf oge, %parallel_loop3A_554, %parallel_loop3A_556 : vector<16xf32>
      %parallel_loop3A_558 = arith.select %parallel_loop3A_557, %parallel_loop3A_547, %parallel_loop3A_553 : vector<16xi1>, vector<16xf32>
      %parallel_loop3A_559 = arith.addf %parallel_loop3A_558, %parallel_loop3A_540 : vector<16xf32>
      %parallel_loop3A_560 = arith.constant 1 : i32
      %parallel_loop3A_561 = arith.index_cast %parallel_loop3A_560 : i32 to index
      %parallel_loop3A_562 = arith.index_cast %parallel_loop3A_310 : i32 to index
      %parallel_loop3A_563 = arith.constant 112 : index
      %parallel_loop3A_564 = tpu.vector_load %arg7[%parallel_loop3A_561, %parallel_loop3A_562, %parallel_loop3A_563] {strides = array<i32>} : memref<2x128x128xf32, #tpu.memory_space<vmem>>, vector<1x1x16xf32>,
      %parallel_loop3A_565 = vector.shape_cast %parallel_loop3A_564 : vector<1x1x16xf32> to vector<16xf32>
      %parallel_loop3A_566 = vector.shape_cast %parallel_loop3A_559 : vector<16xf32> to vector<1x1x16xf32>
      tpu.vector_store %arg7[%parallel_loop3A_561, %parallel_loop3A_562, %parallel_loop3A_563], %parallel_loop3A_566 {strides = array<i32>} : memref<2x128x128xf32, #tpu.memory_space<vmem>>, vector<1x1x16xf32>,
    } {sc.loop_unroll_factor = 1 : i64, sc.parallel_access}
    %add3A_198 = arith.constant 128 : i32
    %add3A_199 = arith.addi %sub3A_21, %add3A_198 : i32
    %dma_start3A_200 = arith.constant 1 : i32
    %dma_start3A_201 = arith.constant 0 : i32
    %dma_start3A_202 = arith.constant 0 : i32
    %dma_start3A_203 = tpu.memref_slice %arg7[%dma_start3A_200, %dma_start3A_201, %dma_start3A_202] : memref<2x128x128xf32, #tpu.memory_space<vmem>> -> memref<1x128x128xf32, #tpu.memory_space<vmem>>
    %dma_start3A_204 = tpu.memref_squeeze %dma_start3A_203 : memref<1x128x128xf32, #tpu.memory_space<vmem>> -> memref<128x128xf32, #tpu.memory_space<vmem>>
    %dma_start3A_205 = arith.constant 0 : i32
    %dma_start3A_206 = tpu.memref_slice %arg4[%select_n3A, %add3A_199, %dma_start3A_205] : memref<8x1536x128xf32, #tpu.memory_space<hbm>> -> memref<1x128x128xf32, #tpu.memory_space<hbm>>
    %dma_start3A_207 = tpu.memref_squeeze %dma_start3A_206 : memref<1x128x128xf32, #tpu.memory_space<hbm>> -> memref<128x128xf32, #tpu.memory_space<hbm>>
    %dma_start3A_208 = arith.constant 0 : i32
    %dma_start3A_209 = tpu.memref_slice %arg4[%select_n3A, %add3A_199, %dma_start3A_208] : memref<8x1536x128xf32, #tpu.memory_space<hbm>> -> memref<1x128x128xf32, #tpu.memory_space<hbm>>
    %dma_start3A_210 = tpu.memref_squeeze %dma_start3A_209 : memref<1x128x128xf32, #tpu.memory_space<hbm>> -> memref<128x128xf32, #tpu.memory_space<hbm>>
    %dma_start3A_211 = arith.constant 0 : i32
    %dma_start3A_212 = arith.constant 0 : i32
    %dma_start3A_213 = tpu.memref_slice %arg7[%dma_start3A_200, %dma_start3A_211, %dma_start3A_212] : memref<2x128x128xf32, #tpu.memory_space<vmem>> -> memref<1x128x128xf32, #tpu.memory_space<vmem>>
    %dma_start3A_214 = tpu.memref_squeeze %dma_start3A_213 : memref<1x128x128xf32, #tpu.memory_space<vmem>> -> memref<128x128xf32, #tpu.memory_space<vmem>>
    tpu.enqueue_dma source(%dma_start3A_214 : memref<128x128xf32, #tpu.memory_space<vmem>>) target(%dma_start3A_210 : memref<128x128xf32, #tpu.memory_space<hbm>>) target_semaphore(%arg11 : memref<!tpu.dma_semaphore, #tpu.memory_space<semaphore_mem>>)
    %dma_wait3A_215 = arith.constant 0 : i32
    %dma_wait3A_216 = arith.constant 0 : i32
    %dma_wait3A_217 = arith.constant 0 : i32
    %dma_wait3A_218 = tpu.memref_slice %arg5[%dma_wait3A_215, %dma_wait3A_216, %dma_wait3A_217] : memref<2x128x128xf32, #tpu.memory_space<vmem>> -> memref<1x128x128xf32, #tpu.memory_space<vmem>>
    %dma_wait3A_219 = tpu.memref_squeeze %dma_wait3A_218 : memref<1x128x128xf32, #tpu.memory_space<vmem>> -> memref<128x128xf32, #tpu.memory_space<vmem>>
    %dma_wait3A_220 = arith.constant 0 : i32
    %dma_wait3A_221 = tpu.memref_slice %arg2[%select_n3A, %add3A_134, %dma_wait3A_220] : memref<8x1536x128xf32, #tpu.memory_space<hbm>> -> memref<1x128x128xf32, #tpu.memory_space<hbm>>
    %dma_wait3A_222 = tpu.memref_squeeze %dma_wait3A_221 : memref<1x128x128xf32, #tpu.memory_space<hbm>> -> memref<128x128xf32, #tpu.memory_space<hbm>>
    %dma_wait3A_223 = arith.constant 0 : i32
    %dma_wait3A_224 = arith.constant 0 : i32
    %dma_wait3A_225 = tpu.memref_slice %arg5[%dma_wait3A_215, %dma_wait3A_223, %dma_wait3A_224] : memref<2x128x128xf32, #tpu.memory_space<vmem>> -> memref<1x128x128xf32, #tpu.memory_space<vmem>>
    %dma_wait3A_226 = tpu.memref_squeeze %dma_wait3A_225 : memref<1x128x128xf32, #tpu.memory_space<vmem>> -> memref<128x128xf32, #tpu.memory_space<vmem>>
    %dma_wait3A_227 = arith.constant 0 : i32
    %dma_wait3A_228 = tpu.memref_slice %arg2[%select_n3A, %add3A_134, %dma_wait3A_227] : memref<8x1536x128xf32, #tpu.memory_space<hbm>> -> memref<1x128x128xf32, #tpu.memory_space<hbm>>
    %dma_wait3A_229 = tpu.memref_squeeze %dma_wait3A_228 : memref<1x128x128xf32, #tpu.memory_space<hbm>> -> memref<128x128xf32, #tpu.memory_space<hbm>>
    tpu.wait_dma2 semaphore(%arg8 : memref<!tpu.dma_semaphore, #tpu.memory_space<semaphore_mem>>) src(%dma_wait3A_229 : memref<128x128xf32, #tpu.memory_space<hbm>>) dst(%dma_wait3A_226 : memref<128x128xf32, #tpu.memory_space<vmem>>)
    %dma_wait3A_230 = arith.constant 0 : i32
    %dma_wait3A_231 = arith.constant 0 : i32
    %dma_wait3A_232 = arith.constant 0 : i32
    %dma_wait3A_233 = tpu.memref_slice %arg6[%dma_wait3A_230, %dma_wait3A_231, %dma_wait3A_232] : memref<2x128x128xf32, #tpu.memory_space<vmem>> -> memref<1x128x128xf32, #tpu.memory_space<vmem>>
    %dma_wait3A_234 = tpu.memref_squeeze %dma_wait3A_233 : memref<1x128x128xf32, #tpu.memory_space<vmem>> -> memref<128x128xf32, #tpu.memory_space<vmem>>
    %dma_wait3A_235 = arith.constant 0 : i32
    %dma_wait3A_236 = tpu.memref_slice %arg3[%select_n3A, %add3A_134, %dma_wait3A_235] : memref<8x1536x128xf32, #tpu.memory_space<hbm>> -> memref<1x128x128xf32, #tpu.memory_space<hbm>>
    %dma_wait3A_237 = tpu.memref_squeeze %dma_wait3A_236 : memref<1x128x128xf32, #tpu.memory_space<hbm>> -> memref<128x128xf32, #tpu.memory_space<hbm>>
    %dma_wait3A_238 = arith.constant 0 : i32
    %dma_wait3A_239 = arith.constant 0 : i32
    %dma_wait3A_240 = tpu.memref_slice %arg6[%dma_wait3A_230, %dma_wait3A_238, %dma_wait3A_239] : memref<2x128x128xf32, #tpu.memory_space<vmem>> -> memref<1x128x128xf32, #tpu.memory_space<vmem>>
    %dma_wait3A_241 = tpu.memref_squeeze %dma_wait3A_240 : memref<1x128x128xf32, #tpu.memory_space<vmem>> -> memref<128x128xf32, #tpu.memory_space<vmem>>
    %dma_wait3A_242 = arith.constant 0 : i32
    %dma_wait3A_243 = tpu.memref_slice %arg3[%select_n3A, %add3A_134, %dma_wait3A_242] : memref<8x1536x128xf32, #tpu.memory_space<hbm>> -> memref<1x128x128xf32, #tpu.memory_space<hbm>>
    %dma_wait3A_244 = tpu.memref_squeeze %dma_wait3A_243 : memref<1x128x128xf32, #tpu.memory_space<hbm>> -> memref<128x128xf32, #tpu.memory_space<hbm>>
    tpu.wait_dma2 semaphore(%arg8 : memref<!tpu.dma_semaphore, #tpu.memory_space<semaphore_mem>>) src(%dma_wait3A_244 : memref<128x128xf32, #tpu.memory_space<hbm>>) dst(%dma_wait3A_241 : memref<128x128xf32, #tpu.memory_space<vmem>>)
    %dma_wait3A_245 = arith.constant 0 : i32
    %dma_wait3A_246 = arith.constant 0 : i32
    %dma_wait3A_247 = arith.constant 0 : i32
    %dma_wait3A_248 = tpu.memref_slice %arg7[%dma_wait3A_245, %dma_wait3A_246, %dma_wait3A_247] : memref<2x128x128xf32, #tpu.memory_space<vmem>> -> memref<1x128x128xf32, #tpu.memory_space<vmem>>
    %dma_wait3A_249 = tpu.memref_squeeze %dma_wait3A_248 : memref<1x128x128xf32, #tpu.memory_space<vmem>> -> memref<128x128xf32, #tpu.memory_space<vmem>>
    %dma_wait3A_250 = arith.constant 0 : i32
    %dma_wait3A_251 = tpu.memref_slice %arg4[%select_n3A, %add3A_117, %dma_wait3A_250] : memref<8x1536x128xf32, #tpu.memory_space<hbm>> -> memref<1x128x128xf32, #tpu.memory_space<hbm>>
    %dma_wait3A_252 = tpu.memref_squeeze %dma_wait3A_251 : memref<1x128x128xf32, #tpu.memory_space<hbm>> -> memref<128x128xf32, #tpu.memory_space<hbm>>
    %dma_wait3A_253 = arith.constant 0 : i32
    %dma_wait3A_254 = tpu.memref_slice %arg4[%select_n3A, %add3A_117, %dma_wait3A_253] : memref<8x1536x128xf32, #tpu.memory_space<hbm>> -> memref<1x128x128xf32, #tpu.memory_space<hbm>>
    %dma_wait3A_255 = tpu.memref_squeeze %dma_wait3A_254 : memref<1x128x128xf32, #tpu.memory_space<hbm>> -> memref<128x128xf32, #tpu.memory_space<hbm>>
    %dma_wait3A_256 = arith.constant 0 : i32
    %dma_wait3A_257 = arith.constant 0 : i32
    %dma_wait3A_258 = tpu.memref_slice %arg7[%dma_wait3A_245, %dma_wait3A_256, %dma_wait3A_257] : memref<2x128x128xf32, #tpu.memory_space<vmem>> -> memref<1x128x128xf32, #tpu.memory_space<vmem>>
    %dma_wait3A_259 = tpu.memref_squeeze %dma_wait3A_258 : memref<1x128x128xf32, #tpu.memory_space<vmem>> -> memref<128x128xf32, #tpu.memory_space<vmem>>
    tpu.wait_dma2 semaphore(%arg10 : memref<!tpu.dma_semaphore, #tpu.memory_space<semaphore_mem>>) src(%dma_wait3A_259 : memref<128x128xf32, #tpu.memory_space<vmem>>) dst(%dma_wait3A_255 : memref<128x128xf32, #tpu.memory_space<hbm>>)
    %parallel_loop3A_260 = arith.constant 0 : i32
    %parallel_loop3A_261 = arith.constant 128 : i32
    %parallel_loop3A_262 = arith.constant 1 : i32
    scf.for %parallel_loop3A_310 = %parallel_loop3A_260 to %parallel_loop3A_261 step %parallel_loop3A_262  : i32 {
      %parallel_loop3A_311 = arith.constant 0 : i32
      %parallel_loop3A_312 = arith.index_cast %parallel_loop3A_311 : i32 to index
      %parallel_loop3A_313 = arith.index_cast %parallel_loop3A_310 : i32 to index
      %parallel_loop3A_314 = arith.constant 0 : index
      %parallel_loop3A_315 = tpu.vector_load %arg6[%parallel_loop3A_312, %parallel_loop3A_313, %parallel_loop3A_314] {strides = array<i32>} : memref<2x128x128xf32, #tpu.memory_space<vmem>>, vector<1x1x16xf32>,
      %parallel_loop3A_316 = vector.shape_cast %parallel_loop3A_315 : vector<1x1x16xf32> to vector<16xf32>
      %parallel_loop3A_317 = arith.constant 0 : i32
      %parallel_loop3A_318 = arith.index_cast %parallel_loop3A_317 : i32 to index
      %parallel_loop3A_319 = arith.index_cast %parallel_loop3A_310 : i32 to index
      %parallel_loop3A_320 = arith.constant 0 : index
      %parallel_loop3A_321 = tpu.vector_load %arg5[%parallel_loop3A_318, %parallel_loop3A_319, %parallel_loop3A_320] {strides = array<i32>} : memref<2x128x128xf32, #tpu.memory_space<vmem>>, vector<1x1x16xf32>,
      %parallel_loop3A_322 = vector.shape_cast %parallel_loop3A_321 : vector<1x1x16xf32> to vector<16xf32>
      %parallel_loop3A_323 = arith.subf %parallel_loop3A_322, %parallel_loop3A_316 : vector<16xf32>
      %parallel_loop3A_324 = arith.constant 0x4B400000 : f32
      %parallel_loop3A_325 = vector.broadcast %parallel_loop3A_324 : f32 to vector<16xf32>
      %parallel_loop3A_326 = arith.addf %parallel_loop3A_323, %parallel_loop3A_325 : vector<16xf32>
      %parallel_loop3A_327 = arith.constant 0x4B400000 : f32
      %parallel_loop3A_328 = vector.broadcast %parallel_loop3A_327 : f32 to vector<16xf32>
      %parallel_loop3A_329 = arith.subf %parallel_loop3A_326, %parallel_loop3A_328 : vector<16xf32>
      %parallel_loop3A_330 = math.absf %parallel_loop3A_323 : vector<16xf32>
      %parallel_loop3A_331 = arith.constant 0x4B000000 : f32
      %parallel_loop3A_332 = vector.broadcast %parallel_loop3A_331 : f32 to vector<16xf32>
      %parallel_loop3A_333 = arith.cmpf oge, %parallel_loop3A_330, %parallel_loop3A_332 : vector<16xf32>
      %parallel_loop3A_334 = arith.select %parallel_loop3A_333, %parallel_loop3A_323, %parallel_loop3A_329 : vector<16xi1>, vector<16xf32>
      %parallel_loop3A_335 = arith.addf %parallel_loop3A_334, %parallel_loop3A_316 : vector<16xf32>
      %parallel_loop3A_336 = arith.constant 0 : i32
      %parallel_loop3A_337 = arith.index_cast %parallel_loop3A_336 : i32 to index
      %parallel_loop3A_338 = arith.index_cast %parallel_loop3A_310 : i32 to index
      %parallel_loop3A_339 = arith.constant 0 : index
      %parallel_loop3A_340 = tpu.vector_load %arg7[%parallel_loop3A_337, %parallel_loop3A_338, %parallel_loop3A_339] {strides = array<i32>} : memref<2x128x128xf32, #tpu.memory_space<vmem>>, vector<1x1x16xf32>,
      %parallel_loop3A_341 = vector.shape_cast %parallel_loop3A_340 : vector<1x1x16xf32> to vector<16xf32>
      %parallel_loop3A_342 = vector.shape_cast %parallel_loop3A_335 : vector<16xf32> to vector<1x1x16xf32>
      tpu.vector_store %arg7[%parallel_loop3A_337, %parallel_loop3A_338, %parallel_loop3A_339], %parallel_loop3A_342 {strides = array<i32>} : memref<2x128x128xf32, #tpu.memory_space<vmem>>, vector<1x1x16xf32>,
      %parallel_loop3A_343 = arith.constant 0 : i32
      %parallel_loop3A_344 = arith.index_cast %parallel_loop3A_343 : i32 to index
      %parallel_loop3A_345 = arith.index_cast %parallel_loop3A_310 : i32 to index
      %parallel_loop3A_346 = arith.constant 16 : index
      %parallel_loop3A_347 = tpu.vector_load %arg6[%parallel_loop3A_344, %parallel_loop3A_345, %parallel_loop3A_346] {strides = array<i32>} : memref<2x128x128xf32, #tpu.memory_space<vmem>>, vector<1x1x16xf32>,
      %parallel_loop3A_348 = vector.shape_cast %parallel_loop3A_347 : vector<1x1x16xf32> to vector<16xf32>
      %parallel_loop3A_349 = arith.constant 0 : i32
      %parallel_loop3A_350 = arith.index_cast %parallel_loop3A_349 : i32 to index
      %parallel_loop3A_351 = arith.index_cast %parallel_loop3A_310 : i32 to index
      %parallel_loop3A_352 = arith.constant 16 : index
      %parallel_loop3A_353 = tpu.vector_load %arg5[%parallel_loop3A_350, %parallel_loop3A_351, %parallel_loop3A_352] {strides = array<i32>} : memref<2x128x128xf32, #tpu.memory_space<vmem>>, vector<1x1x16xf32>,
      %parallel_loop3A_354 = vector.shape_cast %parallel_loop3A_353 : vector<1x1x16xf32> to vector<16xf32>
      %parallel_loop3A_355 = arith.subf %parallel_loop3A_354, %parallel_loop3A_348 : vector<16xf32>
      %parallel_loop3A_356 = arith.constant 0x4B400000 : f32
      %parallel_loop3A_357 = vector.broadcast %parallel_loop3A_356 : f32 to vector<16xf32>
      %parallel_loop3A_358 = arith.addf %parallel_loop3A_355, %parallel_loop3A_357 : vector<16xf32>
      %parallel_loop3A_359 = arith.constant 0x4B400000 : f32
      %parallel_loop3A_360 = vector.broadcast %parallel_loop3A_359 : f32 to vector<16xf32>
      %parallel_loop3A_361 = arith.subf %parallel_loop3A_358, %parallel_loop3A_360 : vector<16xf32>
      %parallel_loop3A_362 = math.absf %parallel_loop3A_355 : vector<16xf32>
      %parallel_loop3A_363 = arith.constant 0x4B000000 : f32
      %parallel_loop3A_364 = vector.broadcast %parallel_loop3A_363 : f32 to vector<16xf32>
      %parallel_loop3A_365 = arith.cmpf oge, %parallel_loop3A_362, %parallel_loop3A_364 : vector<16xf32>
      %parallel_loop3A_366 = arith.select %parallel_loop3A_365, %parallel_loop3A_355, %parallel_loop3A_361 : vector<16xi1>, vector<16xf32>
      %parallel_loop3A_367 = arith.addf %parallel_loop3A_366, %parallel_loop3A_348 : vector<16xf32>
      %parallel_loop3A_368 = arith.constant 0 : i32
      %parallel_loop3A_369 = arith.index_cast %parallel_loop3A_368 : i32 to index
      %parallel_loop3A_370 = arith.index_cast %parallel_loop3A_310 : i32 to index
      %parallel_loop3A_371 = arith.constant 16 : index
      %parallel_loop3A_372 = tpu.vector_load %arg7[%parallel_loop3A_369, %parallel_loop3A_370, %parallel_loop3A_371] {strides = array<i32>} : memref<2x128x128xf32, #tpu.memory_space<vmem>>, vector<1x1x16xf32>,
      %parallel_loop3A_373 = vector.shape_cast %parallel_loop3A_372 : vector<1x1x16xf32> to vector<16xf32>
      %parallel_loop3A_374 = vector.shape_cast %parallel_loop3A_367 : vector<16xf32> to vector<1x1x16xf32>
      tpu.vector_store %arg7[%parallel_loop3A_369, %parallel_loop3A_370, %parallel_loop3A_371], %parallel_loop3A_374 {strides = array<i32>} : memref<2x128x128xf32, #tpu.memory_space<vmem>>, vector<1x1x16xf32>,
      %parallel_loop3A_375 = arith.constant 0 : i32
      %parallel_loop3A_376 = arith.index_cast %parallel_loop3A_375 : i32 to index
      %parallel_loop3A_377 = arith.index_cast %parallel_loop3A_310 : i32 to index
      %parallel_loop3A_378 = arith.constant 32 : index
      %parallel_loop3A_379 = tpu.vector_load %arg6[%parallel_loop3A_376, %parallel_loop3A_377, %parallel_loop3A_378] {strides = array<i32>} : memref<2x128x128xf32, #tpu.memory_space<vmem>>, vector<1x1x16xf32>,
      %parallel_loop3A_380 = vector.shape_cast %parallel_loop3A_379 : vector<1x1x16xf32> to vector<16xf32>
      %parallel_loop3A_381 = arith.constant 0 : i32
      %parallel_loop3A_382 = arith.index_cast %parallel_loop3A_381 : i32 to index
      %parallel_loop3A_383 = arith.index_cast %parallel_loop3A_310 : i32 to index
      %parallel_loop3A_384 = arith.constant 32 : index
      %parallel_loop3A_385 = tpu.vector_load %arg5[%parallel_loop3A_382, %parallel_loop3A_383, %parallel_loop3A_384] {strides = array<i32>} : memref<2x128x128xf32, #tpu.memory_space<vmem>>, vector<1x1x16xf32>,
      %parallel_loop3A_386 = vector.shape_cast %parallel_loop3A_385 : vector<1x1x16xf32> to vector<16xf32>
      %parallel_loop3A_387 = arith.subf %parallel_loop3A_386, %parallel_loop3A_380 : vector<16xf32>
      %parallel_loop3A_388 = arith.constant 0x4B400000 : f32
      %parallel_loop3A_389 = vector.broadcast %parallel_loop3A_388 : f32 to vector<16xf32>
      %parallel_loop3A_390 = arith.addf %parallel_loop3A_387, %parallel_loop3A_389 : vector<16xf32>
      %parallel_loop3A_391 = arith.constant 0x4B400000 : f32
      %parallel_loop3A_392 = vector.broadcast %parallel_loop3A_391 : f32 to vector<16xf32>
      %parallel_loop3A_393 = arith.subf %parallel_loop3A_390, %parallel_loop3A_392 : vector<16xf32>
      %parallel_loop3A_394 = math.absf %parallel_loop3A_387 : vector<16xf32>
      %parallel_loop3A_395 = arith.constant 0x4B000000 : f32
      %parallel_loop3A_396 = vector.broadcast %parallel_loop3A_395 : f32 to vector<16xf32>
      %parallel_loop3A_397 = arith.cmpf oge, %parallel_loop3A_394, %parallel_loop3A_396 : vector<16xf32>
      %parallel_loop3A_398 = arith.select %parallel_loop3A_397, %parallel_loop3A_387, %parallel_loop3A_393 : vector<16xi1>, vector<16xf32>
      %parallel_loop3A_399 = arith.addf %parallel_loop3A_398, %parallel_loop3A_380 : vector<16xf32>
      %parallel_loop3A_400 = arith.constant 0 : i32
      %parallel_loop3A_401 = arith.index_cast %parallel_loop3A_400 : i32 to index
      %parallel_loop3A_402 = arith.index_cast %parallel_loop3A_310 : i32 to index
      %parallel_loop3A_403 = arith.constant 32 : index
      %parallel_loop3A_404 = tpu.vector_load %arg7[%parallel_loop3A_401, %parallel_loop3A_402, %parallel_loop3A_403] {strides = array<i32>} : memref<2x128x128xf32, #tpu.memory_space<vmem>>, vector<1x1x16xf32>,
      %parallel_loop3A_405 = vector.shape_cast %parallel_loop3A_404 : vector<1x1x16xf32> to vector<16xf32>
      %parallel_loop3A_406 = vector.shape_cast %parallel_loop3A_399 : vector<16xf32> to vector<1x1x16xf32>
      tpu.vector_store %arg7[%parallel_loop3A_401, %parallel_loop3A_402, %parallel_loop3A_403], %parallel_loop3A_406 {strides = array<i32>} : memref<2x128x128xf32, #tpu.memory_space<vmem>>, vector<1x1x16xf32>,
      %parallel_loop3A_407 = arith.constant 0 : i32
      %parallel_loop3A_408 = arith.index_cast %parallel_loop3A_407 : i32 to index
      %parallel_loop3A_409 = arith.index_cast %parallel_loop3A_310 : i32 to index
      %parallel_loop3A_410 = arith.constant 48 : index
      %parallel_loop3A_411 = tpu.vector_load %arg6[%parallel_loop3A_408, %parallel_loop3A_409, %parallel_loop3A_410] {strides = array<i32>} : memref<2x128x128xf32, #tpu.memory_space<vmem>>, vector<1x1x16xf32>,
      %parallel_loop3A_412 = vector.shape_cast %parallel_loop3A_411 : vector<1x1x16xf32> to vector<16xf32>
      %parallel_loop3A_413 = arith.constant 0 : i32
      %parallel_loop3A_414 = arith.index_cast %parallel_loop3A_413 : i32 to index
      %parallel_loop3A_415 = arith.index_cast %parallel_loop3A_310 : i32 to index
      %parallel_loop3A_416 = arith.constant 48 : index
      %parallel_loop3A_417 = tpu.vector_load %arg5[%parallel_loop3A_414, %parallel_loop3A_415, %parallel_loop3A_416] {strides = array<i32>} : memref<2x128x128xf32, #tpu.memory_space<vmem>>, vector<1x1x16xf32>,
      %parallel_loop3A_418 = vector.shape_cast %parallel_loop3A_417 : vector<1x1x16xf32> to vector<16xf32>
      %parallel_loop3A_419 = arith.subf %parallel_loop3A_418, %parallel_loop3A_412 : vector<16xf32>
      %parallel_loop3A_420 = arith.constant 0x4B400000 : f32
      %parallel_loop3A_421 = vector.broadcast %parallel_loop3A_420 : f32 to vector<16xf32>
      %parallel_loop3A_422 = arith.addf %parallel_loop3A_419, %parallel_loop3A_421 : vector<16xf32>
      %parallel_loop3A_423 = arith.constant 0x4B400000 : f32
      %parallel_loop3A_424 = vector.broadcast %parallel_loop3A_423 : f32 to vector<16xf32>
      %parallel_loop3A_425 = arith.subf %parallel_loop3A_422, %parallel_loop3A_424 : vector<16xf32>
      %parallel_loop3A_426 = math.absf %parallel_loop3A_419 : vector<16xf32>
      %parallel_loop3A_427 = arith.constant 0x4B000000 : f32
      %parallel_loop3A_428 = vector.broadcast %parallel_loop3A_427 : f32 to vector<16xf32>
      %parallel_loop3A_429 = arith.cmpf oge, %parallel_loop3A_426, %parallel_loop3A_428 : vector<16xf32>
      %parallel_loop3A_430 = arith.select %parallel_loop3A_429, %parallel_loop3A_419, %parallel_loop3A_425 : vector<16xi1>, vector<16xf32>
      %parallel_loop3A_431 = arith.addf %parallel_loop3A_430, %parallel_loop3A_412 : vector<16xf32>
      %parallel_loop3A_432 = arith.constant 0 : i32
      %parallel_loop3A_433 = arith.index_cast %parallel_loop3A_432 : i32 to index
      %parallel_loop3A_434 = arith.index_cast %parallel_loop3A_310 : i32 to index
      %parallel_loop3A_435 = arith.constant 48 : index
      %parallel_loop3A_436 = tpu.vector_load %arg7[%parallel_loop3A_433, %parallel_loop3A_434, %parallel_loop3A_435] {strides = array<i32>} : memref<2x128x128xf32, #tpu.memory_space<vmem>>, vector<1x1x16xf32>,
      %parallel_loop3A_437 = vector.shape_cast %parallel_loop3A_436 : vector<1x1x16xf32> to vector<16xf32>
      %parallel_loop3A_438 = vector.shape_cast %parallel_loop3A_431 : vector<16xf32> to vector<1x1x16xf32>
      tpu.vector_store %arg7[%parallel_loop3A_433, %parallel_loop3A_434, %parallel_loop3A_435], %parallel_loop3A_438 {strides = array<i32>} : memref<2x128x128xf32, #tpu.memory_space<vmem>>, vector<1x1x16xf32>,
      %parallel_loop3A_439 = arith.constant 0 : i32
      %parallel_loop3A_440 = arith.index_cast %parallel_loop3A_439 : i32 to index
      %parallel_loop3A_441 = arith.index_cast %parallel_loop3A_310 : i32 to index
      %parallel_loop3A_442 = arith.constant 64 : index
      %parallel_loop3A_443 = tpu.vector_load %arg6[%parallel_loop3A_440, %parallel_loop3A_441, %parallel_loop3A_442] {strides = array<i32>} : memref<2x128x128xf32, #tpu.memory_space<vmem>>, vector<1x1x16xf32>,
      %parallel_loop3A_444 = vector.shape_cast %parallel_loop3A_443 : vector<1x1x16xf32> to vector<16xf32>
      %parallel_loop3A_445 = arith.constant 0 : i32
      %parallel_loop3A_446 = arith.index_cast %parallel_loop3A_445 : i32 to index
      %parallel_loop3A_447 = arith.index_cast %parallel_loop3A_310 : i32 to index
      %parallel_loop3A_448 = arith.constant 64 : index
      %parallel_loop3A_449 = tpu.vector_load %arg5[%parallel_loop3A_446, %parallel_loop3A_447, %parallel_loop3A_448] {strides = array<i32>} : memref<2x128x128xf32, #tpu.memory_space<vmem>>, vector<1x1x16xf32>,
      %parallel_loop3A_450 = vector.shape_cast %parallel_loop3A_449 : vector<1x1x16xf32> to vector<16xf32>
      %parallel_loop3A_451 = arith.subf %parallel_loop3A_450, %parallel_loop3A_444 : vector<16xf32>
      %parallel_loop3A_452 = arith.constant 0x4B400000 : f32
      %parallel_loop3A_453 = vector.broadcast %parallel_loop3A_452 : f32 to vector<16xf32>
      %parallel_loop3A_454 = arith.addf %parallel_loop3A_451, %parallel_loop3A_453 : vector<16xf32>
      %parallel_loop3A_455 = arith.constant 0x4B400000 : f32
      %parallel_loop3A_456 = vector.broadcast %parallel_loop3A_455 : f32 to vector<16xf32>
      %parallel_loop3A_457 = arith.subf %parallel_loop3A_454, %parallel_loop3A_456 : vector<16xf32>
      %parallel_loop3A_458 = math.absf %parallel_loop3A_451 : vector<16xf32>
      %parallel_loop3A_459 = arith.constant 0x4B000000 : f32
      %parallel_loop3A_460 = vector.broadcast %parallel_loop3A_459 : f32 to vector<16xf32>
      %parallel_loop3A_461 = arith.cmpf oge, %parallel_loop3A_458, %parallel_loop3A_460 : vector<16xf32>
      %parallel_loop3A_462 = arith.select %parallel_loop3A_461, %parallel_loop3A_451, %parallel_loop3A_457 : vector<16xi1>, vector<16xf32>
      %parallel_loop3A_463 = arith.addf %parallel_loop3A_462, %parallel_loop3A_444 : vector<16xf32>
      %parallel_loop3A_464 = arith.constant 0 : i32
      %parallel_loop3A_465 = arith.index_cast %parallel_loop3A_464 : i32 to index
      %parallel_loop3A_466 = arith.index_cast %parallel_loop3A_310 : i32 to index
      %parallel_loop3A_467 = arith.constant 64 : index
      %parallel_loop3A_468 = tpu.vector_load %arg7[%parallel_loop3A_465, %parallel_loop3A_466, %parallel_loop3A_467] {strides = array<i32>} : memref<2x128x128xf32, #tpu.memory_space<vmem>>, vector<1x1x16xf32>,
      %parallel_loop3A_469 = vector.shape_cast %parallel_loop3A_468 : vector<1x1x16xf32> to vector<16xf32>
      %parallel_loop3A_470 = vector.shape_cast %parallel_loop3A_463 : vector<16xf32> to vector<1x1x16xf32>
      tpu.vector_store %arg7[%parallel_loop3A_465, %parallel_loop3A_466, %parallel_loop3A_467], %parallel_loop3A_470 {strides = array<i32>} : memref<2x128x128xf32, #tpu.memory_space<vmem>>, vector<1x1x16xf32>,
      %parallel_loop3A_471 = arith.constant 0 : i32
      %parallel_loop3A_472 = arith.index_cast %parallel_loop3A_471 : i32 to index
      %parallel_loop3A_473 = arith.index_cast %parallel_loop3A_310 : i32 to index
      %parallel_loop3A_474 = arith.constant 80 : index
      %parallel_loop3A_475 = tpu.vector_load %arg6[%parallel_loop3A_472, %parallel_loop3A_473, %parallel_loop3A_474] {strides = array<i32>} : memref<2x128x128xf32, #tpu.memory_space<vmem>>, vector<1x1x16xf32>,
      %parallel_loop3A_476 = vector.shape_cast %parallel_loop3A_475 : vector<1x1x16xf32> to vector<16xf32>
      %parallel_loop3A_477 = arith.constant 0 : i32
      %parallel_loop3A_478 = arith.index_cast %parallel_loop3A_477 : i32 to index
      %parallel_loop3A_479 = arith.index_cast %parallel_loop3A_310 : i32 to index
      %parallel_loop3A_480 = arith.constant 80 : index
      %parallel_loop3A_481 = tpu.vector_load %arg5[%parallel_loop3A_478, %parallel_loop3A_479, %parallel_loop3A_480] {strides = array<i32>} : memref<2x128x128xf32, #tpu.memory_space<vmem>>, vector<1x1x16xf32>,
      %parallel_loop3A_482 = vector.shape_cast %parallel_loop3A_481 : vector<1x1x16xf32> to vector<16xf32>
      %parallel_loop3A_483 = arith.subf %parallel_loop3A_482, %parallel_loop3A_476 : vector<16xf32>
      %parallel_loop3A_484 = arith.constant 0x4B400000 : f32
      %parallel_loop3A_485 = vector.broadcast %parallel_loop3A_484 : f32 to vector<16xf32>
      %parallel_loop3A_486 = arith.addf %parallel_loop3A_483, %parallel_loop3A_485 : vector<16xf32>
      %parallel_loop3A_487 = arith.constant 0x4B400000 : f32
      %parallel_loop3A_488 = vector.broadcast %parallel_loop3A_487 : f32 to vector<16xf32>
      %parallel_loop3A_489 = arith.subf %parallel_loop3A_486, %parallel_loop3A_488 : vector<16xf32>
      %parallel_loop3A_490 = math.absf %parallel_loop3A_483 : vector<16xf32>
      %parallel_loop3A_491 = arith.constant 0x4B000000 : f32
      %parallel_loop3A_492 = vector.broadcast %parallel_loop3A_491 : f32 to vector<16xf32>
      %parallel_loop3A_493 = arith.cmpf oge, %parallel_loop3A_490, %parallel_loop3A_492 : vector<16xf32>
      %parallel_loop3A_494 = arith.select %parallel_loop3A_493, %parallel_loop3A_483, %parallel_loop3A_489 : vector<16xi1>, vector<16xf32>
      %parallel_loop3A_495 = arith.addf %parallel_loop3A_494, %parallel_loop3A_476 : vector<16xf32>
      %parallel_loop3A_496 = arith.constant 0 : i32
      %parallel_loop3A_497 = arith.index_cast %parallel_loop3A_496 : i32 to index
      %parallel_loop3A_498 = arith.index_cast %parallel_loop3A_310 : i32 to index
      %parallel_loop3A_499 = arith.constant 80 : index
      %parallel_loop3A_500 = tpu.vector_load %arg7[%parallel_loop3A_497, %parallel_loop3A_498, %parallel_loop3A_499] {strides = array<i32>} : memref<2x128x128xf32, #tpu.memory_space<vmem>>, vector<1x1x16xf32>,
      %parallel_loop3A_501 = vector.shape_cast %parallel_loop3A_500 : vector<1x1x16xf32> to vector<16xf32>
      %parallel_loop3A_502 = vector.shape_cast %parallel_loop3A_495 : vector<16xf32> to vector<1x1x16xf32>
      tpu.vector_store %arg7[%parallel_loop3A_497, %parallel_loop3A_498, %parallel_loop3A_499], %parallel_loop3A_502 {strides = array<i32>} : memref<2x128x128xf32, #tpu.memory_space<vmem>>, vector<1x1x16xf32>,
      %parallel_loop3A_503 = arith.constant 0 : i32
      %parallel_loop3A_504 = arith.index_cast %parallel_loop3A_503 : i32 to index
      %parallel_loop3A_505 = arith.index_cast %parallel_loop3A_310 : i32 to index
      %parallel_loop3A_506 = arith.constant 96 : index
      %parallel_loop3A_507 = tpu.vector_load %arg6[%parallel_loop3A_504, %parallel_loop3A_505, %parallel_loop3A_506] {strides = array<i32>} : memref<2x128x128xf32, #tpu.memory_space<vmem>>, vector<1x1x16xf32>,
      %parallel_loop3A_508 = vector.shape_cast %parallel_loop3A_507 : vector<1x1x16xf32> to vector<16xf32>
      %parallel_loop3A_509 = arith.constant 0 : i32
      %parallel_loop3A_510 = arith.index_cast %parallel_loop3A_509 : i32 to index
      %parallel_loop3A_511 = arith.index_cast %parallel_loop3A_310 : i32 to index
      %parallel_loop3A_512 = arith.constant 96 : index
      %parallel_loop3A_513 = tpu.vector_load %arg5[%parallel_loop3A_510, %parallel_loop3A_511, %parallel_loop3A_512] {strides = array<i32>} : memref<2x128x128xf32, #tpu.memory_space<vmem>>, vector<1x1x16xf32>,
      %parallel_loop3A_514 = vector.shape_cast %parallel_loop3A_513 : vector<1x1x16xf32> to vector<16xf32>
      %parallel_loop3A_515 = arith.subf %parallel_loop3A_514, %parallel_loop3A_508 : vector<16xf32>
      %parallel_loop3A_516 = arith.constant 0x4B400000 : f32
      %parallel_loop3A_517 = vector.broadcast %parallel_loop3A_516 : f32 to vector<16xf32>
      %parallel_loop3A_518 = arith.addf %parallel_loop3A_515, %parallel_loop3A_517 : vector<16xf32>
      %parallel_loop3A_519 = arith.constant 0x4B400000 : f32
      %parallel_loop3A_520 = vector.broadcast %parallel_loop3A_519 : f32 to vector<16xf32>
      %parallel_loop3A_521 = arith.subf %parallel_loop3A_518, %parallel_loop3A_520 : vector<16xf32>
      %parallel_loop3A_522 = math.absf %parallel_loop3A_515 : vector<16xf32>
      %parallel_loop3A_523 = arith.constant 0x4B000000 : f32
      %parallel_loop3A_524 = vector.broadcast %parallel_loop3A_523 : f32 to vector<16xf32>
      %parallel_loop3A_525 = arith.cmpf oge, %parallel_loop3A_522, %parallel_loop3A_524 : vector<16xf32>
      %parallel_loop3A_526 = arith.select %parallel_loop3A_525, %parallel_loop3A_515, %parallel_loop3A_521 : vector<16xi1>, vector<16xf32>
      %parallel_loop3A_527 = arith.addf %parallel_loop3A_526, %parallel_loop3A_508 : vector<16xf32>
      %parallel_loop3A_528 = arith.constant 0 : i32
      %parallel_loop3A_529 = arith.index_cast %parallel_loop3A_528 : i32 to index
      %parallel_loop3A_530 = arith.index_cast %parallel_loop3A_310 : i32 to index
      %parallel_loop3A_531 = arith.constant 96 : index
      %parallel_loop3A_532 = tpu.vector_load %arg7[%parallel_loop3A_529, %parallel_loop3A_530, %parallel_loop3A_531] {strides = array<i32>} : memref<2x128x128xf32, #tpu.memory_space<vmem>>, vector<1x1x16xf32>,
      %parallel_loop3A_533 = vector.shape_cast %parallel_loop3A_532 : vector<1x1x16xf32> to vector<16xf32>
      %parallel_loop3A_534 = vector.shape_cast %parallel_loop3A_527 : vector<16xf32> to vector<1x1x16xf32>
      tpu.vector_store %arg7[%parallel_loop3A_529, %parallel_loop3A_530, %parallel_loop3A_531], %parallel_loop3A_534 {strides = array<i32>} : memref<2x128x128xf32, #tpu.memory_space<vmem>>, vector<1x1x16xf32>,
      %parallel_loop3A_535 = arith.constant 0 : i32
      %parallel_loop3A_536 = arith.index_cast %parallel_loop3A_535 : i32 to index
      %parallel_loop3A_537 = arith.index_cast %parallel_loop3A_310 : i32 to index
      %parallel_loop3A_538 = arith.constant 112 : index
      %parallel_loop3A_539 = tpu.vector_load %arg6[%parallel_loop3A_536, %parallel_loop3A_537, %parallel_loop3A_538] {strides = array<i32>} : memref<2x128x128xf32, #tpu.memory_space<vmem>>, vector<1x1x16xf32>,
      %parallel_loop3A_540 = vector.shape_cast %parallel_loop3A_539 : vector<1x1x16xf32> to vector<16xf32>
      %parallel_loop3A_541 = arith.constant 0 : i32
      %parallel_loop3A_542 = arith.index_cast %parallel_loop3A_541 : i32 to index
      %parallel_loop3A_543 = arith.index_cast %parallel_loop3A_310 : i32 to index
      %parallel_loop3A_544 = arith.constant 112 : index
      %parallel_loop3A_545 = tpu.vector_load %arg5[%parallel_loop3A_542, %parallel_loop3A_543, %parallel_loop3A_544] {strides = array<i32>} : memref<2x128x128xf32, #tpu.memory_space<vmem>>, vector<1x1x16xf32>,
      %parallel_loop3A_546 = vector.shape_cast %parallel_loop3A_545 : vector<1x1x16xf32> to vector<16xf32>
      %parallel_loop3A_547 = arith.subf %parallel_loop3A_546, %parallel_loop3A_540 : vector<16xf32>
      %parallel_loop3A_548 = arith.constant 0x4B400000 : f32
      %parallel_loop3A_549 = vector.broadcast %parallel_loop3A_548 : f32 to vector<16xf32>
      %parallel_loop3A_550 = arith.addf %parallel_loop3A_547, %parallel_loop3A_549 : vector<16xf32>
      %parallel_loop3A_551 = arith.constant 0x4B400000 : f32
      %parallel_loop3A_552 = vector.broadcast %parallel_loop3A_551 : f32 to vector<16xf32>
      %parallel_loop3A_553 = arith.subf %parallel_loop3A_550, %parallel_loop3A_552 : vector<16xf32>
      %parallel_loop3A_554 = math.absf %parallel_loop3A_547 : vector<16xf32>
      %parallel_loop3A_555 = arith.constant 0x4B000000 : f32
      %parallel_loop3A_556 = vector.broadcast %parallel_loop3A_555 : f32 to vector<16xf32>
      %parallel_loop3A_557 = arith.cmpf oge, %parallel_loop3A_554, %parallel_loop3A_556 : vector<16xf32>
      %parallel_loop3A_558 = arith.select %parallel_loop3A_557, %parallel_loop3A_547, %parallel_loop3A_553 : vector<16xi1>, vector<16xf32>
      %parallel_loop3A_559 = arith.addf %parallel_loop3A_558, %parallel_loop3A_540 : vector<16xf32>
      %parallel_loop3A_560 = arith.constant 0 : i32
      %parallel_loop3A_561 = arith.index_cast %parallel_loop3A_560 : i32 to index
      %parallel_loop3A_562 = arith.index_cast %parallel_loop3A_310 : i32 to index
      %parallel_loop3A_563 = arith.constant 112 : index
      %parallel_loop3A_564 = tpu.vector_load %arg7[%parallel_loop3A_561, %parallel_loop3A_562, %parallel_loop3A_563] {strides = array<i32>} : memref<2x128x128xf32, #tpu.memory_space<vmem>>, vector<1x1x16xf32>,
      %parallel_loop3A_565 = vector.shape_cast %parallel_loop3A_564 : vector<1x1x16xf32> to vector<16xf32>
      %parallel_loop3A_566 = vector.shape_cast %parallel_loop3A_559 : vector<16xf32> to vector<1x1x16xf32>
      tpu.vector_store %arg7[%parallel_loop3A_561, %parallel_loop3A_562, %parallel_loop3A_563], %parallel_loop3A_566 {strides = array<i32>} : memref<2x128x128xf32, #tpu.memory_space<vmem>>, vector<1x1x16xf32>,
    } {sc.loop_unroll_factor = 1 : i64, sc.parallel_access}
    %add3A_263 = arith.constant 256 : i32
    %add3A_264 = arith.addi %sub3A_21, %add3A_263 : i32
    %dma_start3A_265 = arith.constant 0 : i32
    %dma_start3A_266 = arith.constant 0 : i32
    %dma_start3A_267 = arith.constant 0 : i32
    %dma_start3A_268 = tpu.memref_slice %arg7[%dma_start3A_265, %dma_start3A_266, %dma_start3A_267] : memref<2x128x128xf32, #tpu.memory_space<vmem>> -> memref<1x128x128xf32, #tpu.memory_space<vmem>>
    %dma_start3A_269 = tpu.memref_squeeze %dma_start3A_268 : memref<1x128x128xf32, #tpu.memory_space<vmem>> -> memref<128x128xf32, #tpu.memory_space<vmem>>
    %dma_start3A_270 = arith.constant 0 : i32
    %dma_start3A_271 = tpu.memref_slice %arg4[%select_n3A, %add3A_264, %dma_start3A_270] : memref<8x1536x128xf32, #tpu.memory_space<hbm>> -> memref<1x128x128xf32, #tpu.memory_space<hbm>>
    %dma_start3A_272 = tpu.memref_squeeze %dma_start3A_271 : memref<1x128x128xf32, #tpu.memory_space<hbm>> -> memref<128x128xf32, #tpu.memory_space<hbm>>
    %dma_start3A_273 = arith.constant 0 : i32
    %dma_start3A_274 = tpu.memref_slice %arg4[%select_n3A, %add3A_264, %dma_start3A_273] : memref<8x1536x128xf32, #tpu.memory_space<hbm>> -> memref<1x128x128xf32, #tpu.memory_space<hbm>>
    %dma_start3A_275 = tpu.memref_squeeze %dma_start3A_274 : memref<1x128x128xf32, #tpu.memory_space<hbm>> -> memref<128x128xf32, #tpu.memory_space<hbm>>
    %dma_start3A_276 = arith.constant 0 : i32
    %dma_start3A_277 = arith.constant 0 : i32
    %dma_start3A_278 = tpu.memref_slice %arg7[%dma_start3A_265, %dma_start3A_276, %dma_start3A_277] : memref<2x128x128xf32, #tpu.memory_space<vmem>> -> memref<1x128x128xf32, #tpu.memory_space<vmem>>
    %dma_start3A_279 = tpu.memref_squeeze %dma_start3A_278 : memref<1x128x128xf32, #tpu.memory_space<vmem>> -> memref<128x128xf32, #tpu.memory_space<vmem>>
    tpu.enqueue_dma source(%dma_start3A_279 : memref<128x128xf32, #tpu.memory_space<vmem>>) target(%dma_start3A_275 : memref<128x128xf32, #tpu.memory_space<hbm>>) target_semaphore(%arg10 : memref<!tpu.dma_semaphore, #tpu.memory_space<semaphore_mem>>)
    %dma_wait3A_280 = arith.constant 1 : i32
    %dma_wait3A_281 = arith.constant 0 : i32
    %dma_wait3A_282 = arith.constant 0 : i32
    %dma_wait3A_283 = tpu.memref_slice %arg7[%dma_wait3A_280, %dma_wait3A_281, %dma_wait3A_282] : memref<2x128x128xf32, #tpu.memory_space<vmem>> -> memref<1x128x128xf32, #tpu.memory_space<vmem>>
    %dma_wait3A_284 = tpu.memref_squeeze %dma_wait3A_283 : memref<1x128x128xf32, #tpu.memory_space<vmem>> -> memref<128x128xf32, #tpu.memory_space<vmem>>
    %dma_wait3A_285 = arith.constant 0 : i32
    %dma_wait3A_286 = tpu.memref_slice %arg4[%select_n3A, %add3A_199, %dma_wait3A_285] : memref<8x1536x128xf32, #tpu.memory_space<hbm>> -> memref<1x128x128xf32, #tpu.memory_space<hbm>>
    %dma_wait3A_287 = tpu.memref_squeeze %dma_wait3A_286 : memref<1x128x128xf32, #tpu.memory_space<hbm>> -> memref<128x128xf32, #tpu.memory_space<hbm>>
    %dma_wait3A_288 = arith.constant 0 : i32
    %dma_wait3A_289 = tpu.memref_slice %arg4[%select_n3A, %add3A_199, %dma_wait3A_288] : memref<8x1536x128xf32, #tpu.memory_space<hbm>> -> memref<1x128x128xf32, #tpu.memory_space<hbm>>
    %dma_wait3A_290 = tpu.memref_squeeze %dma_wait3A_289 : memref<1x128x128xf32, #tpu.memory_space<hbm>> -> memref<128x128xf32, #tpu.memory_space<hbm>>
    %dma_wait3A_291 = arith.constant 0 : i32
    %dma_wait3A_292 = arith.constant 0 : i32
    %dma_wait3A_293 = tpu.memref_slice %arg7[%dma_wait3A_280, %dma_wait3A_291, %dma_wait3A_292] : memref<2x128x128xf32, #tpu.memory_space<vmem>> -> memref<1x128x128xf32, #tpu.memory_space<vmem>>
    %dma_wait3A_294 = tpu.memref_squeeze %dma_wait3A_293 : memref<1x128x128xf32, #tpu.memory_space<vmem>> -> memref<128x128xf32, #tpu.memory_space<vmem>>
    tpu.wait_dma2 semaphore(%arg11 : memref<!tpu.dma_semaphore, #tpu.memory_space<semaphore_mem>>) src(%dma_wait3A_294 : memref<128x128xf32, #tpu.memory_space<vmem>>) dst(%dma_wait3A_290 : memref<128x128xf32, #tpu.memory_space<hbm>>)
    %dma_wait3A_295 = arith.constant 0 : i32
    %dma_wait3A_296 = arith.constant 0 : i32
    %dma_wait3A_297 = arith.constant 0 : i32
    %dma_wait3A_298 = tpu.memref_slice %arg7[%dma_wait3A_295, %dma_wait3A_296, %dma_wait3A_297] : memref<2x128x128xf32, #tpu.memory_space<vmem>> -> memref<1x128x128xf32, #tpu.memory_space<vmem>>
    %dma_wait3A_299 = tpu.memref_squeeze %dma_wait3A_298 : memref<1x128x128xf32, #tpu.memory_space<vmem>> -> memref<128x128xf32, #tpu.memory_space<vmem>>
    %dma_wait3A_300 = arith.constant 0 : i32
    %dma_wait3A_301 = tpu.memref_slice %arg4[%select_n3A, %add3A_264, %dma_wait3A_300] : memref<8x1536x128xf32, #tpu.memory_space<hbm>> -> memref<1x128x128xf32, #tpu.memory_space<hbm>>
    %dma_wait3A_302 = tpu.memref_squeeze %dma_wait3A_301 : memref<1x128x128xf32, #tpu.memory_space<hbm>> -> memref<128x128xf32, #tpu.memory_space<hbm>>
    %dma_wait3A_303 = arith.constant 0 : i32
    %dma_wait3A_304 = tpu.memref_slice %arg4[%select_n3A, %add3A_264, %dma_wait3A_303] : memref<8x1536x128xf32, #tpu.memory_space<hbm>> -> memref<1x128x128xf32, #tpu.memory_space<hbm>>
    %dma_wait3A_305 = tpu.memref_squeeze %dma_wait3A_304 : memref<1x128x128xf32, #tpu.memory_space<hbm>> -> memref<128x128xf32, #tpu.memory_space<hbm>>
    %dma_wait3A_306 = arith.constant 0 : i32
    %dma_wait3A_307 = arith.constant 0 : i32
    %dma_wait3A_308 = tpu.memref_slice %arg7[%dma_wait3A_295, %dma_wait3A_306, %dma_wait3A_307] : memref<2x128x128xf32, #tpu.memory_space<vmem>> -> memref<1x128x128xf32, #tpu.memory_space<vmem>>
    %dma_wait3A_309 = tpu.memref_squeeze %dma_wait3A_308 : memref<1x128x128xf32, #tpu.memory_space<vmem>> -> memref<128x128xf32, #tpu.memory_space<vmem>>
    tpu.wait_dma2 semaphore(%arg10 : memref<!tpu.dma_semaphore, #tpu.memory_space<semaphore_mem>>) src(%dma_wait3A_309 : memref<128x128xf32, #tpu.memory_space<vmem>>) dst(%dma_wait3A_305 : memref<128x128xf32, #tpu.memory_space<hbm>>)
    return
  }
}

module attributes {stable_mosaic.version = 14 : i64} {
  func.func @_tc_body(%arg0: i32, %arg1: i32, %arg2: memref<2x768x128xf32, #tpu.memory_space<vmem>>, %arg3: memref<2x768x128xf32, #tpu.memory_space<vmem>>, %arg4: memref<2x768x128xf32, #tpu.memory_space<vmem>>, %arg5: memref<2x768x128xf32, #tpu.memory_space<vmem>>) attributes {dimension_semantics = [#tpu.dimension_semantics<arbitrary>, #tpu.dimension_semantics<arbitrary>], iteration_bounds = array<i64: 4, 2>, scalar_prefetch = 0 : i64, scratch_operands = 0 : i64, tpu.core_type = #tpu.core_type<tc>, window_params = [{transform_indices = @transform_0, window_bounds = array<i64: 2, 768, 128>}, {transform_indices = @transform_1, window_bounds = array<i64: 2, 768, 128>}, {transform_indices = @transform_2, window_bounds = array<i64: 2, 768, 128>}, {transform_indices = @transform_3, window_bounds = array<i64: 2, 768, 128>}]} {
    %get3A = arith.constant 0 : index
    %get3A_0 = arith.constant 0 : index
    %get3A_1 = arith.constant 0 : index
    %get3A_2 = vector.load %arg2[%get3A, %get3A_0, %get3A_1] : memref<2x768x128xf32, #tpu.memory_space<vmem>>, vector<2x768x128xf32>
    %get3A_3 = arith.constant 0 : index
    %get3A_4 = arith.constant 0 : index
    %get3A_5 = arith.constant 0 : index
    %get3A_6 = vector.load %arg3[%get3A_3, %get3A_4, %get3A_5] : memref<2x768x128xf32, #tpu.memory_space<vmem>>, vector<2x768x128xf32>
    %get3A_7 = arith.constant 0 : index
    %get3A_8 = arith.constant 0 : index
    %get3A_9 = arith.constant 0 : index
    %get3A_10 = vector.load %arg4[%get3A_7, %get3A_8, %get3A_9] : memref<2x768x128xf32, #tpu.memory_space<vmem>>, vector<2x768x128xf32>
    %sub3A = arith.subf %get3A_2, %get3A_10 : vector<2x768x128xf32>
    %add3A = arith.constant 0x4B400000 : f32
    %add3A_11 = vector.broadcast %add3A : f32 to vector<2x768x128xf32>
    %add3A_12 = arith.addf %sub3A, %add3A_11 : vector<2x768x128xf32>
    %sub3A_13 = arith.constant 0x4B400000 : f32
    %sub3A_14 = vector.broadcast %sub3A_13 : f32 to vector<2x768x128xf32>
    %sub3A_15 = arith.subf %add3A_12, %sub3A_14 : vector<2x768x128xf32>
    %abs3A = math.absf %sub3A : vector<2x768x128xf32>
    %ge3A = arith.constant 0x4B000000 : f32
    %ge3A_16 = vector.broadcast %ge3A : f32 to vector<2x768x128xf32>
    %ge3A_17 = arith.cmpf oge, %abs3A, %ge3A_16 : vector<2x768x128xf32>
    %select_n3A = arith.select %ge3A_17, %sub3A, %sub3A_15 : vector<2x768x128xi1>, vector<2x768x128xf32>
    %abs3A_18 = math.absf %select_n3A : vector<2x768x128xf32>
    %max3A = arith.constant 1.100000e-01 : f32
    %max3A_19 = vector.broadcast %max3A : f32 to vector<2x768x128xf32>
    %max3A_20 = arith.maximumf %get3A_6, %max3A_19 : vector<2x768x128xf32>
    %div3A = arith.constant 0.707106769 : f32
    %div3A_21 = vector.broadcast %div3A : f32 to vector<2x768x128xf32>
    %div3A_22 = arith.divf %div3A_21, %max3A_20 : vector<2x768x128xf32>
    %add3A_23 = arith.constant 5.000000e-01 : f32
    %add3A_24 = vector.broadcast %add3A_23 : f32 to vector<2x768x128xf32>
    %add3A_25 = arith.addf %abs3A_18, %add3A_24 : vector<2x768x128xf32>
    %mul3A = arith.mulf %add3A_25, %div3A_22 : vector<2x768x128xf32>
    %sub3A_26 = arith.constant 5.000000e-01 : f32
    %sub3A_27 = vector.broadcast %sub3A_26 : f32 to vector<2x768x128xf32>
    %sub3A_28 = arith.subf %abs3A_18, %sub3A_27 : vector<2x768x128xf32>
    %mul3A_29 = arith.mulf %sub3A_28, %div3A_22 : vector<2x768x128xf32>
    %mul3A_30 = arith.constant 0.327591091 : f32
    %mul3A_31 = vector.broadcast %mul3A_30 : f32 to vector<2x768x128xf32>
    %mul3A_32 = arith.mulf %mul3A_31, %mul3A : vector<2x768x128xf32>
    %add3A_33 = arith.constant 1.000000e+00 : f32
    %add3A_34 = vector.broadcast %add3A_33 : f32 to vector<2x768x128xf32>
    %add3A_35 = arith.addf %add3A_34, %mul3A_32 : vector<2x768x128xf32>
    %div3A_36 = arith.constant 1.000000e+00 : f32
    %div3A_37 = vector.broadcast %div3A_36 : f32 to vector<2x768x128xf32>
    %div3A_38 = arith.divf %div3A_37, %add3A_35 : vector<2x768x128xf32>
    %mul3A_39 = arith.constant 1.06140542 : f32
    %mul3A_40 = vector.broadcast %mul3A_39 : f32 to vector<2x768x128xf32>
    %mul3A_41 = arith.mulf %div3A_38, %mul3A_40 : vector<2x768x128xf32>
    %add3A_42 = arith.constant -1.45315206 : f32
    %add3A_43 = vector.broadcast %add3A_42 : f32 to vector<2x768x128xf32>
    %add3A_44 = arith.addf %add3A_43, %mul3A_41 : vector<2x768x128xf32>
    %mul3A_45 = arith.mulf %div3A_38, %add3A_44 : vector<2x768x128xf32>
    %add3A_46 = arith.constant 1.42141378 : f32
    %add3A_47 = vector.broadcast %add3A_46 : f32 to vector<2x768x128xf32>
    %add3A_48 = arith.addf %add3A_47, %mul3A_45 : vector<2x768x128xf32>
    %mul3A_49 = arith.mulf %div3A_38, %add3A_48 : vector<2x768x128xf32>
    %add3A_50 = arith.constant -0.284496725 : f32
    %add3A_51 = vector.broadcast %add3A_50 : f32 to vector<2x768x128xf32>
    %add3A_52 = arith.addf %add3A_51, %mul3A_49 : vector<2x768x128xf32>
    %mul3A_53 = arith.mulf %div3A_38, %add3A_52 : vector<2x768x128xf32>
    %add3A_54 = arith.constant 0.254829586 : f32
    %add3A_55 = vector.broadcast %add3A_54 : f32 to vector<2x768x128xf32>
    %add3A_56 = arith.addf %add3A_55, %mul3A_53 : vector<2x768x128xf32>
    %mul3A_57 = arith.mulf %div3A_38, %add3A_56 : vector<2x768x128xf32>
    %mul3A_58 = arith.mulf %mul3A, %mul3A : vector<2x768x128xf32>
    %neg3A = arith.constant 0.000000e+00 : f32
    %neg3A_59 = vector.broadcast %neg3A : f32 to vector<2x768x128xf32>
    %neg3A_60 = arith.subf %neg3A_59, %mul3A_58 : vector<2x768x128xf32>
    %exp3A = math.exp %neg3A_60 : vector<2x768x128xf32>
    %mul3A_61 = arith.mulf %mul3A_57, %exp3A : vector<2x768x128xf32>
    %abs3A_62 = math.absf %mul3A_29 : vector<2x768x128xf32>
    %mul3A_63 = arith.constant 0.327591091 : f32
    %mul3A_64 = vector.broadcast %mul3A_63 : f32 to vector<2x768x128xf32>
    %mul3A_65 = arith.mulf %mul3A_64, %abs3A_62 : vector<2x768x128xf32>
    %add3A_66 = arith.constant 1.000000e+00 : f32
    %add3A_67 = vector.broadcast %add3A_66 : f32 to vector<2x768x128xf32>
    %add3A_68 = arith.addf %add3A_67, %mul3A_65 : vector<2x768x128xf32>
    %div3A_69 = arith.constant 1.000000e+00 : f32
    %div3A_70 = vector.broadcast %div3A_69 : f32 to vector<2x768x128xf32>
    %div3A_71 = arith.divf %div3A_70, %add3A_68 : vector<2x768x128xf32>
    %mul3A_72 = arith.constant 1.06140542 : f32
    %mul3A_73 = vector.broadcast %mul3A_72 : f32 to vector<2x768x128xf32>
    %mul3A_74 = arith.mulf %div3A_71, %mul3A_73 : vector<2x768x128xf32>
    %add3A_75 = arith.constant -1.45315206 : f32
    %add3A_76 = vector.broadcast %add3A_75 : f32 to vector<2x768x128xf32>
    %add3A_77 = arith.addf %add3A_76, %mul3A_74 : vector<2x768x128xf32>
    %mul3A_78 = arith.mulf %div3A_71, %add3A_77 : vector<2x768x128xf32>
    %add3A_79 = arith.constant 1.42141378 : f32
    %add3A_80 = vector.broadcast %add3A_79 : f32 to vector<2x768x128xf32>
    %add3A_81 = arith.addf %add3A_80, %mul3A_78 : vector<2x768x128xf32>
    %mul3A_82 = arith.mulf %div3A_71, %add3A_81 : vector<2x768x128xf32>
    %add3A_83 = arith.constant -0.284496725 : f32
    %add3A_84 = vector.broadcast %add3A_83 : f32 to vector<2x768x128xf32>
    %add3A_85 = arith.addf %add3A_84, %mul3A_82 : vector<2x768x128xf32>
    %mul3A_86 = arith.mulf %div3A_71, %add3A_85 : vector<2x768x128xf32>
    %add3A_87 = arith.constant 0.254829586 : f32
    %add3A_88 = vector.broadcast %add3A_87 : f32 to vector<2x768x128xf32>
    %add3A_89 = arith.addf %add3A_88, %mul3A_86 : vector<2x768x128xf32>
    %mul3A_90 = arith.mulf %div3A_71, %add3A_89 : vector<2x768x128xf32>
    %mul3A_91 = arith.mulf %abs3A_62, %abs3A_62 : vector<2x768x128xf32>
    %neg3A_92 = arith.constant 0.000000e+00 : f32
    %neg3A_93 = vector.broadcast %neg3A_92 : f32 to vector<2x768x128xf32>
    %neg3A_94 = arith.subf %neg3A_93, %mul3A_91 : vector<2x768x128xf32>
    %exp3A_95 = math.exp %neg3A_94 : vector<2x768x128xf32>
    %mul3A_96 = arith.mulf %mul3A_90, %exp3A_95 : vector<2x768x128xf32>
    %lt3A = arith.constant 0.000000e+00 : f32
    %lt3A_97 = vector.broadcast %lt3A : f32 to vector<2x768x128xf32>
    %lt3A_98 = arith.cmpf olt, %mul3A_29, %lt3A_97 : vector<2x768x128xf32>
    %sub3A_99 = arith.constant 2.000000e+00 : f32
    %sub3A_100 = vector.broadcast %sub3A_99 : f32 to vector<2x768x128xf32>
    %sub3A_101 = arith.subf %sub3A_100, %mul3A_96 : vector<2x768x128xf32>
    %select_n3A_102 = arith.select %lt3A_98, %sub3A_101, %mul3A_96 : vector<2x768x128xi1>, vector<2x768x128xf32>
    %sub3A_103 = arith.subf %select_n3A_102, %mul3A_61 : vector<2x768x128xf32>
    %mul3A_104 = arith.constant 5.000000e-01 : f32
    %mul3A_105 = vector.broadcast %mul3A_104 : f32 to vector<2x768x128xf32>
    %mul3A_106 = arith.mulf %mul3A_105, %sub3A_103 : vector<2x768x128xf32>
    %max3A_107 = arith.constant 9.99999971E-10 : f32
    %max3A_108 = vector.broadcast %max3A_107 : f32 to vector<2x768x128xf32>
    %max3A_109 = arith.maximumf %mul3A_106, %max3A_108 : vector<2x768x128xf32>
    %swap3A = arith.constant 0 : index
    %swap3A_110 = arith.constant 0 : index
    %swap3A_111 = arith.constant 0 : index
    %swap3A_112 = vector.load %arg5[%swap3A, %swap3A_110, %swap3A_111] : memref<2x768x128xf32, #tpu.memory_space<vmem>>, vector<2x768x128xf32>
    tpu.vector_store %arg5[%swap3A, %swap3A_110, %swap3A_111], %max3A_109 {strides = array<i32>} : memref<2x768x128xf32, #tpu.memory_space<vmem>>, vector<2x768x128xf32>,
    return
  }
  func.func @transform_0(%arg0: i32, %arg1: i32) -> (i32, i32, i32) {
    %c0_i32 = arith.constant 0 : i32
    %c0_i32_0 = arith.constant 0 : i32
    return %arg0, %arg1, %c0_i32 : i32, i32, i32
  }
  func.func @transform_1(%arg0: i32, %arg1: i32) -> (i32, i32, i32) {
    %c0_i32 = arith.constant 0 : i32
    %c0_i32_0 = arith.constant 0 : i32
    return %arg0, %arg1, %c0_i32 : i32, i32, i32
  }
  func.func @transform_2(%arg0: i32, %arg1: i32) -> (i32, i32, i32) {
    %c0_i32 = arith.constant 0 : i32
    %c0_i32_0 = arith.constant 0 : i32
    return %arg0, %arg1, %c0_i32 : i32, i32, i32
  }
  func.func @transform_3(%arg0: i32, %arg1: i32) -> (i32, i32, i32) {
    %c0_i32 = arith.constant 0 : i32
    %c0_i32_0 = arith.constant 0 : i32
    return %arg0, %arg1, %c0_i32 : i32, i32, i32
  }
}

</mosaic_0001>

<sc_bundles>
// kernel: kernel.4.cloned.1.call-start
scs
__scs_entry_jumppad:
0x0: {  	(pc) =	sbr.rel $0x88, $3  }
0x1: {  	(tag) =	ssettag $0x0;
	lr =	simm.s32 $0x1  }
0x2: {  	[smem:$0x3F9E] =	sst lr;
	_ =	strace $0xD0000000  }
0x3: {  	_ = 	snop  }
0x4: {  	_ = 	snop  }
0x5: {  	_ = 	snop  }
0x6: {  	_ = 	snop  }
0x7: {  	_ = 	snop  }
__scs_overlays_trampoline_lowered:
0x8: {  	[smem:$0x3FAD] =	sst s0  }
0x9: {  	[smem:$0x3FAE] =	sst s1  }
0xa: {  	[smem:$0x3FAF] =	sst s2  }
0xb: {  	[smem:$0x3FB0] =	sst s3  }
0xc: {  	[smem:$0x3FB1] =	sst s4  }
0xd: {  	[smem:$0x3FB2] =	sst s5  }
0xe: {  	[smem:$0x3FB3] =	sst s6  }
0xf: {  	[smem:$0x3FB4] =	sst s7  }
0x10: {  	[smem:$0x3FB5] =	sst s8  }
0x11: {  	[smem:$0x3FB6] =	sst s9;
	s0 =	simm.s32 @!p0 $0x0  }
0x12: {  	s1 =	sld [smem:$0x3F9C];
	s0 =	simm.s32 @p0 $0x1  }
0x13: {  	[smem:$0x3FB7] =	sst s0;
	s0 =	simm.s32 @!p1 $0x0  }
0x14: {  	s2 =	sld [smem:$0x3F9B];
	s0 =	simm.s32 @p1 $0x1  }
0x15: {  	[smem:$0x3FB8] =	sst s0;
	s0 =	simm.s32 @!p2 $0x0  }
0x16: {  	s3 =	sld [smem:$0x3FDB];
	s0 =	simm.s32 @p2 $0x1  }
0x17: {  	s4 =	simm.s32 $0x1BF5;
	[smem:$0x3FBA] =	sst s0  }
0x18: {  	s0 =	sld [smem:$0x3F9D];
	_ =	swait.ge [sflag:s4], $0x0  }
0x19: {  	s7 =	sld [smem:$0x3F9E]  }
0x1a: {  	s8 =	sadd.s32 $0xFFFFE003, lr  }
0x1b: {  	s9 =	sadd.s32 $0xFFFFFEF7, lr;
	s5 =	simm.s32 $0xFFFFFFFF;
	p2 =	slt.u32 s8, $0xFFFFF086  }
0x1c: {  	p1 =	slt.u32 s9, $0xF7A;
	s5 =	simm.s32 @!p2 $0x0  }
0x1d: {  	s5 =	simm.s32 @p1 $0x1;
	p0 =	seq.s32 s7, s2  }
0x1e: {  	s7 =	smul.u32 @!p0 $0xF7A, s2;
	p2 =	seq.s32 @!p0 s5, $0x0  }
0x1f: {  	s9 =	smul.u32 $0xF7A, s1;
	s8 =	simm.s32 @!p0 $0x1BF5;
	p2 =	por !p2, p0  }
0x20: {  	[sflag:s8] =	ssyncset.s32 @!p0 $0xFFFFF086;
	s6 =	sadd.s32 @!p0 s3, s7;
	s7 =	simm.s32 @!p0 $0x108  }
0x21: {  	s3 =	sadd.s32 s3, s9;
	s6 =	sadd.s32 @!p0 $0x88, s6;
	s7 =	simm.s32 @p2 $0x1082  }
0x22: {  	[simem:s7], [sflag:s8] =	dma.local @!p0 [hbm:s6], $0xF7A  }
0x23: {  	s9 =	sor.u32 $0xD0000000, s2;
	s6 =	simm.s32 $0x108;
	_ =	swait.ge @!p0 [sflag:s8], $0x0  }
0x24: {  	s3 =	sadd.s32 $0x88, s3;
	s6 =	simm.s32 @!p1 $0x1082;
	[sflag:s4] =	ssyncset.s32 $0xFFFFF086  }
0x25: {  	[simem:s6], [sflag:s4] =	dma.local [hbm:s3], $0xF7A  }
0x26: {  	[smem:$0x3F9E] =	sst s1;
	(tag) =	ssettag s2;
	_ =	strace s9  }
0x27: {  	s1 =	sld [smem:$0x3FAE]  }
0x28: {  	s2 =	sld [smem:$0x3FAF]  }
0x29: {  	s4 =	sld [smem:$0x3FB1]  }
0x2a: {  	p0 =	seq.s32 s5, $0x0;
	s5 =	sld [smem:$0x3FB2]  }
0x2b: {  	s6 =	sld [smem:$0x3FB3]  }
0x2c: {  	s7 =	sld [smem:$0x3FB4]  }
0x2d: {  	s3 =	simm.s32 $0x108;
	s8 =	sld [smem:$0x3FB5]  }
0x2e: {  	s3 =	simm.s32 @!p0 $0x1082;
	s9 =	sld [smem:$0x3FB6]  }
0x2f: {  	lr =	sadd.s32 s0, s3;
	s0 =	sld [smem:$0x3FAD]  }
0x30: {  	s3 =	sld [smem:$0x3FB0]  }
0x31: {  	[smem:$0x3FB9] =	sst s10  }
0x32: {  	s10 =	sld [smem:$0x3FB7];
	_ =	sdelay $0x3  }
0x33: {  	p0 =	seq.s32 s10, $0x1;
	s10 =	sld [smem:$0x3FB9];
	_ =	sdelay $0x3  }
0x34: {  	[smem:$0x3FB9] =	sst s10  }
0x35: {  	s10 =	sld [smem:$0x3FB8];
	_ =	sdelay $0x3  }
0x36: {  	p1 =	seq.s32 s10, $0x1;
	s10 =	sld [smem:$0x3FB9];
	_ =	sdelay $0x3  }
0x37: {  	[smem:$0x3FB9] =	sst s10  }
0x38: {  	s10 =	sld [smem:$0x3FBA]  }
0x39: {  	_ = 	snop;
	(pc) =	sbr.ind lr, $3  }
0x3a: {  	_ = 	snop  }
0x3b: {  	_ = 	snop  }
0x3c: {  	p2 =	seq.s32 s10, $0x1;
	s10 =	sld [smem:$0x3FB9]  }
0x3d: {  	_ =	shalt  }
0x3e: {  	_ =	shalt  }
0x3f: {  	_ =	shalt  }
0x40: {  	_ =	shalt  }
0x41: {  	_ =	shalt  }
0x42: {  	_ =	shalt  }
0x43: {  	_ =	shalt  }
0x44: {  	_ =	shalt  }
0x45: {  	_ =	shalt  }
0x46: {  	_ =	shalt  }
0x47: {  	_ =	shalt  }
0x48: {  	_ =	shalt  }
0x49: {  	_ =	shalt  }
0x4a: {  	_ =	shalt  }
0x4b: {  	_ =	shalt  }
0x4c: {  	_ =	shalt  }
0x4d: {  	_ =	shalt  }
0x4e: {  	_ =	shalt  }
0x4f: {  	_ =	shalt  }
0x50: {  	_ =	shalt  }
0x51: {  	_ =	shalt  }
0x52: {  	_ =	shalt  }
0x53: {  	_ =	shalt  }
0x54: {  	_ =	shalt  }
0x55: {  	_ =	shalt  }
0x56: {  	_ =	shalt  }
0x57: {  	_ =	shalt  }
0x58: {  	_ =	shalt  }
0x59: {  	_ =	shalt  }
0x5a: {  	_ =	shalt  }
0x5b: {  	_ =	shalt  }
0x5c: {  	_ =	shalt  }
0x5d: {  	_ =	shalt  }
0x5e: {  	_ =	shalt  }
0x5f: {  	_ =	shalt  }
0x60: {  	_ =	shalt  }
0x61: {  	_ =	shalt  }
0x62: {  	_ =	shalt  }
0x63: {  	_ =	shalt  }
0x64: {  	_ =	shalt  }
0x65: {  	_ =	shalt  }
0x66: {  	_ =	shalt  }
0x67: {  	_ =	shalt  }
0x68: {  	_ =	shalt  }
0x69: {  	_ =	shalt  }
0x6a: {  	_ =	shalt  }
0x6b: {  	_ =	shalt  }
0x6c: {  	_ =	shalt  }
0x6d: {  	_ =	shalt  }
0x6e: {  	_ =	shalt  }
0x6f: {  	_ =	shalt  }
0x70: {  	_ =	shalt  }
0x71: {  	_ =	shalt  }
0x72: {  	_ =	shalt  }
0x73: {  	_ =	shalt  }
0x74: {  	_ =	shalt  }
0x75: {  	_ =	shalt  }
0x76: {  	_ =	shalt  }
0x77: {  	_ =	shalt  }
0x78: {  	_ =	shalt  }
0x79: {  	_ =	shalt  }
0x7a: {  	_ =	shalt  }
0x7b: {  	_ =	shalt  }
0x7c: {  	_ =	shalt  }
0x7d: {  	_ =	shalt  }
0x7e: {  	_ =	shalt  }
0x7f: {  	_ =	shalt  }
0x80: {  	_ =	shalt  }
0x81: {  	_ =	shalt  }
0x82: {  	_ =	shalt  }
0x83: {  	_ =	shalt  }
0x84: {  	_ =	shalt  }
0x85: {  	_ =	shalt  }
0x86: {  	_ =	shalt  }
0x87: {  	_ =	shalt  }
.Lfunc_end0:
.L_simem_size_0:
called_computation_lowered:
.L_overlay_start_0:
0x88: {  	s2 =	sld [smem:$0x3FD9]  }
0x89: {  	s3 =	sld [smem:$0x3FFE];
	_ =	sdelay $0x1  }
0x8a: {  	s1 =	srdreg.scid  }
0x8b: {  	s0 =	sand.u32 $0x1, s1  }
0x8c: {  	s14 =	sshll.u32 s0, $0xA;
	s2 =	sadd.s32 s3, s2  }
0x8d: {  	s2 =	sadd.s32 s2, s14  }
0x8e: {  	[smem:$0x3FC5] =	sst s2  }
0x8f: {  	_ = 	snop  }
0x90: {  	s2 =	sld [smem:$0x3FD0];
	_ =	sdelay $0x2  }
0x91: {  	s15 =	simm.s32 $0xA;
	s4 =	simm.s32 $0x10  }
0x92: {  	[smem:s4], [sflag:s15] =	dma.local [hbm:s2], $0x1  }
0x93: {  	_ =	swait.eq [sflag:s15], $0x1  }
0x94: {  	[sflag:s15] =	ssyncset.done $0x0  }
0x95: {  	[sflag:s15] =	ssyncadd.s32 $0xFFFFFFFF  }
0x96: {  	s16 =	sld [smem:$0x10];
	(tm) =	ssettm $0x1  }
0x97: {  	s17 =	sld [smem:$0x3FFB];
	_ =	sdelay $0x3  }
0x98: {  	_ =	strace s17  }
0x99: {  	s3 =	sld [smem:$0x3FFC];
	_ =	sdelay $0x3  }
0x9a: {  	_ =	strace s3  }
0x9b: {  	s3 =	sld [smem:$0x3FFD];
	_ =	sdelay $0x3  }
0x9c: {  	_ =	strace s3  }
0x9d: {  	_ =	strace $0x8FFFFFFF  }
0x9e: {  	s18 =	sld [smem:$0x3FDB];
	_ =	sdelay $0x1  }
0x9f: {  	s19 =	simm.s32 $_scs_section_size  }
0xa0: {  	s5 =	simm.s32 $_size__tile_overlayer_lowered;
	s6 =	simm.s32 $_tile_overlayer_lowered  }
0xa1: {  	s22 =	simm.s32 $0x1BFF;
	s21 =	sshll.u32 s6, $0x1;
	s3 =	sadd.s32 s19, s18  }
0xa2: {  	s7 =	simm.s32 $0x0;
	s20 =	sshll.u32 s5, $0x1;
	s5 =	sadd.s32 s21, s3  }
0xa3: {  	[timem:s7], [sflag:s22] =	dma.local [hbm:s5], s20  }
0xa4: {  	_ =	swait.ge [sflag:s22], s20  }
0xa5: {  	s4 =	ssub.s32 $0x0, s20;
	[sflag:s22] =	ssyncset.done $0x0  }
0xa6: {  	[sflag:s22] =	ssyncadd.s32 s4;
	_ =	sdelay $0x1  }
0xa7: {  	s23 =	simm.s32 $0x1B8B  }
0xa8: {  	_ =	swait.ge [sflag:s23], $0x1  }
0xa9: {  	[sflag:s23] =	ssyncset.done $0x0  }
0xaa: {  	s25 =	simm.s32 $0x1B8E;
	s24 =	sld [smem:$0x3FFE];
	[sflag:s23] =	ssyncadd.s32 $0xFFFFFFFF  }
0xab: {  	s26 =	simm.s32 $execute0_lowered;
	[smem:$0x3FD2] =	sst s25  }
0xac: {  	s5 =	sshll.u32 s26, $0x1;
	_ =	strace $0x80000046;
	[dreg:$0x1] =	wrdreg $0xFFFFFFFF  }
0xad: {  	s28 =	simm.s32 $_size_execute0_lowered;
	s3 =	sadd.s32 s3, s5;
	[dreg:$0x0] =	wrdreg $0x0  }
0xae: {  	s5 =	sshll.u32 s28, $0x1;
	[dreg:$0x2] =	wrdreg s3  }
0xaf: {  	[dreg:$0x3] =	wrdreg s5  }
0xb0: {  	[dreg:$0x4] =	wrdreg $0xC0  }
0xb1: {  	_ =	task [dreg:s7], $0x5FFFF  }
0xb2: {  	[dreg:$0x1] =	wrdreg $0xFFFFFFFF  }
0xb3: {  	[dreg:$0x0] =	wrdreg $0x60  }
0xb4: {  	[dreg:$0x2] =	wrdreg s16  }
0xb5: {  	[dreg:$0x3] =	wrdreg s24  }
0xb6: {  	[dreg:$0x4] =	wrdreg $0x9  }
0xb7: {  	_ =	task.clear_ibuf [dreg:s7], $0x5FFFF;
	_ =	strace $0x90000046  }
0xb8: {  	s29 =	simm.s32 $0x9;
	_ =	strace $0x80000048  }
0xb9: {  	_ =	swait.ge [sflag:s29], $0x1  }
0xba: {  	[sflag:s29] =	ssyncadd.s32 $0xFFFFFFFF  }
0xbb: {  	_ =	strace $0x90000048  }
0xbc: {  	_ =	sfence  }
0xbd: {  	s30 =	sld [smem:$0x0];
	_ =	sdelay $0x2  }
0xbe: {  	s31 =	sshll.u32 s1, $0xD;
	s1 =	sshrl.u32 s1, $0x2  }
0xbf: {  	s3 =	sand.u32 $0x4000, s31;
	s1 =	sadd.s32 s1, s30  }
0xc0: {  	s0 =	sor.u32 s3, s0;
	s1 =	sshll.u32 s1, $0x11  }
0xc1: {  	s0 =	sor.u32 s1, s0  }
0xc2: {  	s0 =	sadd.s32 $0x8F2B, s0  }
0xc3: {  	[sflag:s0] =	ssyncadd.remote.s32 $0x1  }
0xc4: {  	_ =	sfence.sel $0xFFFF  }
0xc5: {  	[dreg:$0x0] =	wrdreg $0xFFFFFFFF;
	(pc) =	sbr.abs _section_cstart, $3  }
0xc6: {  	[dreg:$0x1] =	wrdreg $0xFFFFFFFF  }
0xc7: {  	_ =	task.clear_ibuf [dreg:s7], $0x2FFFF;
	_ =	strace $0x9FFFFFFF  }
0xc8: {  	(tm) =	ssettm $0x7FFFFFFF  }
0xc9: {  	_ =	shalt  }
tec
execute0_lowered:
.L_overlay_start_1:
0x0: {  	(tag) =	ssettag $0x1  }
0x1: {  	s1 =	srdreg.scid  }
0x2: {  	s0 =	stileid.u32;
	s8 =	rddreg [dreg:$0x0]  }
0x3: {  	s6 =	rddreg [dreg:$0x1];
	s2 =	simm.s32 $0x0;
	s14 =	simm.s32 $0x4000  }
0x4: {  	s15 =	simm.s32 $0xC000;
	s16 =	simm.s32 $0x1;
	s17 =	simm.s32 $0x10000  }
0x5: {  	s18 =	simm.s32 $0x2;
	s19 =	simm.s32 $0x14000;
	s20 =	simm.s32 $0x3  }
0x6: {  	s3 =	sand.u32 $0x1, s1;
	s28 =	sshll.u32 s0, $0x1;
	s5 =	sshrl.u32 s0, $0x1  }
0x7: {  	s21 =	simm.s32 $0x4;
	s1 =	sor.u32 s3, s28;
	s7 =	smul.u32 $0xFFFFFA00, s5  }
0x8: {  	s22 =	simm.s32 $0x0;
	[smem:$0x7FF] =	sst s2;
	s4 =	smul.u32 $0x180, s1  }
0x9: {  	s9 =	sadd.s32 $0xC00, s6;
	s11 =	sadd.s32 $0x30C00, s6;
	s3 =	ssub.s32 $0x2, s3  }
0xa: {  	s5 =	smul.u32 $0x30000, s5;
	s30 =	sshrl.u32 s3, $0x1;
	s4 =	sadd.s32 s7, s4  }
0xb: {  	s1 =	rddreg [dreg:$0x2];
	s12 =	ssub.s32 s3, s30;
	s4 =	sshll.u32 s4, $0x7  }
0xc: {  	_ =	strace $0x80000047;
	s12 =	smax.u32 s12, $0x1;
	s29 =	sadd.s32 s5, s4  }
0xd: {  	s31 =	sshrl.u32 s29, $0x3;
	s5 =	sadd.s32 $0x4000, s29;
	s13 =	sadd.s32 $0x8000, s29  }
0xe: {  	s3 =	sadd.s32 s8, s31;
	s10 =	sshrl.u32 s5, $0x3;
	s4 =	sadd.s32 s9, s31  }
0xf: {  	s7 =	sadd.s32 s11, s31;
	s13 =	sshrl.u32 s13, $0x3;
	s5 =	sadd.s32 s8, s10  }
0x10: {  	s6 =	sadd.s32 s9, s10;
	s8 =	sadd.s32 s8, s13;
	s9 =	sadd.s32 s9, s13  }
0x11: {  	s10 =	sadd.s32 s11, s10;
	s11 =	sadd.s32 s11, s13;
	s13 =	simm.s32 $0x8000  }
.LBB2_1:
0x12: {  	[tilespmem:s2], [sflag:$0x1] =	stream.linear.gather [hbm4b:s3+s2], $0x4000, $0x38;
	[tilespmem:$0x18000] =	vst v63  }
0x13: {  	_ = 	snop  }
0x14: {  	[tilespmem:s13], [sflag:$0x1] =	stream.linear.gather [hbm4b:s4+s2], $0x4000, $0x38;
	[tilespmem:$0x18000] =	vst v63  }
0x15: {  	_ = 	snop  }
0x16: {  	[tilespmem:s14], [sflag:$0x2] =	stream.linear.gather [hbm4b:s5+s2], $0x4000, $0x38;
	[tilespmem:$0x18000] =	vst v63  }
0x17: {  	_ = 	snop  }
0x18: {  	[tilespmem:s15], [sflag:$0x2] =	stream.linear.gather [hbm4b:s6+s2], $0x4000, $0x38;
	[tilespmem:$0x18000] =	vst v63  }
0x19: {  	_ =	swait.ge [sflag:s16], $0x4000  }
0x1a: {  	[sflag:s16] =	ssyncset.done $0x0  }
0x1b: {  	[sflag:s16] =	ssyncadd.s32 $0xFFFFC000  }
0x1c: {  	_ =	swait.ge [sflag:s16], $0x4000  }
0x1d: {  	[sflag:s16] =	ssyncset.done $0x0  }
0x1e: {  	s23 =	simm.s32 $0x0;
	[sflag:s16] =	ssyncadd.s32 $0xFFFFC000  }
0x1f: {  	v0 =	vld [tilespmem:s23+$0x70]  }
0x20: {  	v1 =	vld [tilespmem:s23+$0x0]  }
0x21: {  	v2 =	vld [tilespmem:s23+$0x60]  }
0x22: {  	v3 =	vld [tilespmem:s23+$0x50]  }
0x23: {  	v4 =	vld [tilespmem:s23+$0x30]  }
0x24: {  	v5 =	vld [tilespmem:s23+$0x40]  }
0x25: {  	v6 =	vld [tilespmem:s23+$0x8010]  }
0x26: {  	v8 =	vld [tilespmem:s23+$0x8070]  }
0x27: {  	v7 =	vld [tilespmem:s23+$0x8040]  }
0x28: {  	v9 =	vld [tilespmem:s23+$0x10]  }
0x29: {  	v10 =	vld [tilespmem:s23+$0x8050]  }
0x2a: {  	v11 =	vld [tilespmem:s23+$0x8060]  }
0x2b: {  	v22 =	vld [tilespmem:s23+$0x8030]  }
0x2c: {  	v13 =	vld [tilespmem:s23+$0x8000];
	_ =	sdelay $0x1  }
0x2d: {  	v12 =	vsub.f32 v0, v8;
	v0 =	vsub.f32 v5, v7  }
0x2e: {  	v5 =	vsub.f32 v9, v6;
	v3 =	vsub.f32 v3, v10  }
0x2f: {  	v18 =	vsub.f32 v2, v11;
	v20 =	vsub.f32 v4, v22  }
0x30: {  	v1 =	vsub.f32 v1, v13;
	v9 =	vadd.f32 $1.258291200e+07, v12;
	v14 =	vand.u32 $0x7FFFFFFF, v12  }
0x31: {  	v19 =	vld [tilespmem:s23+$0x20];
	v15 =	vand.u32 $0x7FFFFFFF, v0;
	v16 =	vand.u32 $0x7FFFFFFF, v5;
	v17 =	vadd.f32 $1.258291200e+07, v0  }
0x32: {  	s24 =	simm.s32 $0x80;
	v2 =	vld [tilespmem:s23+$0x8020];
	v4 =	vadd.f32 $1.258291200e+07, v3;
	v21 =	vadd.f32 $1.258291200e+07, v5;
	v24 =	vand.u32 $0x7FFFFFFF, v20  }
0x33: {  	v23 =	vld [tilespmem:s24+$0x70];
	v25 =	vand.u32 $0x7FFFFFFF, v3;
	v26 =	vadd.f32 $1.258291200e+07, v1;
	vm1 =	vge.f32 v15, $8.388608000e+06  }
0x34: {  	v59 =	vld [tilespmem:s24+$0x60];
	v15 =	vand.u32 $0x7FFFFFFF, v18;
	vm3 =	vge.f32 v16, $8.388608000e+06;
	v16 =	vadd.f32 $1.258291200e+07, v20  }
0x35: {  	v27 =	vld [tilespmem:s24+$0x50];
	vm0 =	vge.f32 v15, $8.388608000e+06;
	v15 =	vadd.f32 $-1.258291200e+07, v21;
	v28 =	vadd.f32 $-1.258291200e+07, v4  }
0x36: {  	v29 =	vld [tilespmem:s24+$0x30];
	vm2 =	vge.f32 v25, $8.388608000e+06;
	v60 =	vadd.f32 $-1.258291200e+07, v26;
	v9 =	vadd.f32 $-1.258291200e+07, v9  }
0x37: {  	v61 =	vld [tilespmem:s24+$0x10];
	vm4 =	vge.f32 v24, $8.388608000e+06;
	v19 =	vsub.f32 v19, v2;
	v16 =	vadd.f32 $-1.258291200e+07, v16  }
0x38: {  	v4 =	vsel vm3, v5, v15;
	vm3 =	vge.f32 v14, $8.388608000e+06;
	v14 =	vld [tilespmem:s24+$0x40];
	v15 =	vadd.f32 $1.258291200e+07, v18  }
0x39: {  	v21 =	vand.u32 $0x7FFFFFFF, v1;
	v5 =	vadd.f32 $-1.258291200e+07, v17;
	v17 =	vadd.f32 v4, v6;
	v6 =	vld [tilespmem:s24+$0x8010]  }
0x3a: {  	v3 =	vsel vm2, v3, v28;
	v4 =	vld [tilespmem:s24+$0x8040];
	v62 =	vadd.f32 $1.258291200e+07, v19;
	v15 =	vadd.f32 $-1.258291200e+07, v15  }
0x3b: {  	v30 =	vadd.f32 v3, v10;
	v3 =	vld [tilespmem:s24+$0x8030];
	v5 =	vsel vm1, v0, v5;
	vm1 =	vge.f32 v21, $8.388608000e+06  }
0x3c: {  	v0 =	vld [tilespmem:s24+$0x8070];
	v1 =	vsel vm1, v1, v60;
	v21 =	vadd.f32 v5, v7;
	v7 =	vsel vm0, v18, v15  }
0x3d: {  	v9 =	vsel vm3, v12, v9;
	v5 =	vld [tilespmem:s24+$0x8050];
	v63 =	vadd.f32 v1, v13;
	v15 =	vadd.f32 v7, v11  }
0x3e: {  	v10 =	vand.u32 $0x7FFFFFFF, v19;
	v1 =	vld [tilespmem:s24+$0x8060];
	v11 =	vadd.f32 v9, v8;
	v8 =	vadd.f32 $-1.258291200e+07, v62  }
0x3f: {  	v31 =	vsel vm4, v20, v16;
	vm0 =	vge.f32 v10, $8.388608000e+06;
	v13 =	vld [tilespmem:s24+$0x0]  }
0x40: {  	v22 =	vadd.f32 v31, v22;
	[tilespmem:s23+$0x10010] =	vst v17;
	v12 =	vsub.f32 v14, v4;
	v20 =	vsel vm0, v19, v8;
	v8 =	vld [tilespmem:s24+$0x8000]  }
0x41: {  	[tilespmem:s23+$0x10050] =	vst v30;
	v17 =	vsub.f32 v61, v6;
	v7 =	vsub.f32 v23, v0  }
0x42: {  	[tilespmem:s23+$0x10070] =	vst v11;
	v11 =	vsub.f32 v29, v3;
	v23 =	vand.u32 $0x7FFFFFFF, v12;
	v10 =	vsub.f32 v27, v5  }
0x43: {  	s25 =	simm.s32 $0x400;
	[tilespmem:s23+$0x10040] =	vst v21;
	v21 =	vand.u32 $0x7FFFFFFF, v17;
	v19 =	vadd.f32 $1.258291200e+07, v12;
	v9 =	vsub.f32 v59, v1  }
0x44: {  	v16 =	vld [tilespmem:s24+$0x20];
	[tilespmem:s23+$0x10000] =	vst v63;
	v14 =	vadd.f32 $1.258291200e+07, v7;
	v18 =	vand.u32 $0x7FFFFFFF, v7;
	vm0 =	vge.f32 v23, $8.388608000e+06  }
.LBB2_2:
0x45: {  	s26 =	sshra.s32 s25, $0x2;
	p0 =	sne.s32 s25, $0xFE00;
	s25 =	sadd.s32 $0x200, s25;
	v23 =	vsub.f32 v13, v8;
	v24 =	vld [tilespmem:s24+$0x8020];
	v25 =	vadd.f32 $1.258291200e+07, v10;
	v26 =	vand.u32 $0x7FFFFFFF, v9  }
0x46: {  	v28 =	vadd.f32 $1.258291200e+07, v17;
	v30 =	vand.u32 $0x7FFFFFFF, v10;
	v27 =	vld [tilespmem:s26+$0x70];
	v29 =	vand.u32 $0x7FFFFFFF, v11;
	[tilespmem:s23+$0x10030] =	vst v22  }
0x47: {  	vm2 =	vge.f32 v30, $8.388608000e+06;
	vm1 =	vge.f32 v26, $8.388608000e+06;
	v13 =	vld [tilespmem:s26+$0x0];
	v22 =	vadd.f32 $1.258291200e+07, v23;
	[tilespmem:s23+$0x10060] =	vst v15  }
0x48: {  	v31 =	vadd.f32 v20, v2;
	v15 =	vand.u32 $0x7FFFFFFF, v23;
	v28 =	vadd.f32 $-1.258291200e+07, v28;
	v26 =	vld [tilespmem:s26+$0x60]  }
0x49: {  	vm3 =	vge.f32 v21, $8.388608000e+06;
	v21 =	vadd.f32 $1.258291200e+07, v11;
	v25 =	vadd.f32 $-1.258291200e+07, v25;
	v20 =	vld [tilespmem:s26+$0x50]  }
0x4a: {  	v19 =	vadd.f32 $-1.258291200e+07, v19;
	v17 =	vsel vm3, v17, v28;
	vm3 =	vge.f32 v18, $8.388608000e+06;
	v30 =	vld [tilespmem:s26+$0x30];
	[tilespmem:s23+$0x10020] =	vst v31;
	v2 =	vmovc v24;
	s23 =	smov.u32 s24;
	s24 =	smov.u32 s26  }
0x4b: {  	vm4 =	vge.f32 v29, $8.388608000e+06;
	v17 =	vadd.f32 v17, v6;
	v24 =	vadd.f32 $1.258291200e+07, v9;
	v18 =	vld [tilespmem:s24+$0x40]  }
0x4c: {  	v14 =	vadd.f32 $-1.258291200e+07, v14;
	v12 =	vsel vm0, v12, v19;
	v22 =	vadd.f32 $-1.258291200e+07, v22;
	v6 =	vld [tilespmem:s24+$0x8010]  }
0x4d: {  	vm0 =	vge.f32 v15, $8.388608000e+06;
	v15 =	vadd.f32 $-1.258291200e+07, v21;
	v16 =	vsub.f32 v16, v2;
	v19 =	vld [tilespmem:s24+$0x8070];
	[tilespmem:s23+$0x10010] =	vst v17  }
0x4e: {  	v12 =	vadd.f32 v12, v4;
	v21 =	vadd.f32 $-1.258291200e+07, v24;
	v17 =	vsel vm0, v23, v22;
	v4 =	vld [tilespmem:s24+$0x8040]  }
0x4f: {  	v10 =	vsel vm2, v10, v25;
	v14 =	vsel vm3, v7, v14;
	v23 =	vadd.f32 $1.258291200e+07, v16;
	v22 =	vld [tilespmem:s24+$0x10]  }
0x50: {  	v10 =	vadd.f32 v10, v5;
	v8 =	vadd.f32 v17, v8;
	v7 =	vsel vm1, v9, v21;
	[tilespmem:s23+$0x10040] =	vst v12;
	v5 =	vld [tilespmem:s24+$0x8050]  }
0x51: {  	v24 =	vsel vm4, v11, v15;
	v9 =	vand.u32 $0x7FFFFFFF, v16;
	v15 =	vadd.f32 v7, v1;
	v1 =	vld [tilespmem:s24+$0x8060]  }
0x52: {  	v11 =	vadd.f32 v14, v0;
	v25 =	vld [tilespmem:s24+$0x8030];
	v7 =	vsub.f32 v27, v19;
	[tilespmem:s23+$0x10000] =	vst v8;
	v0 =	vmov v19  }
.Ltmp0:
0x53: {  	vm0 =	vge.f32 v9, $8.388608000e+06;
	v19 =	vadd.f32 $-1.258291200e+07, v23;
	v8 =	vld [tilespmem:s24+$0x8000];
	v12 =	vsub.f32 v18, v4;
	[tilespmem:s23+$0x10050] =	vst v10;
	(pc) =	sbr.rel @p0 .LBB2_2-.Ltmp0, $4  }
0x54: {  	v17 =	vsub.f32 v22, v6;
	v14 =	vadd.f32 $1.258291200e+07, v7;
	v18 =	vand.u32 $0x7FFFFFFF, v7;
	[tilespmem:s23+$0x10070] =	vst v11  }
0x55: {  	v22 =	vand.u32 $0x7FFFFFFF, v12;
	v10 =	vsub.f32 v20, v5;
	v20 =	vsel vm0, v16, v19  }
0x56: {  	v19 =	vadd.f32 $1.258291200e+07, v12;
	v21 =	vand.u32 $0x7FFFFFFF, v17;
	v9 =	vsub.f32 v26, v1  }
0x57: {  	vm0 =	vge.f32 v22, $8.388608000e+06;
	v22 =	vadd.f32 v24, v3;
	v16 =	vld [tilespmem:s24+$0x20];
	v11 =	vsub.f32 v30, v25;
	v3 =	vmovc v25  }
0x58: {  	v13 =	vsub.f32 v13, v8;
	v23 =	vadd.f32 $1.258291200e+07, v10;
	v24 =	vand.u32 $0x7FFFFFFF, v9  }
0x59: {  	v25 =	vadd.f32 $1.258291200e+07, v17;
	v27 =	vand.u32 $0x7FFFFFFF, v10;
	v2 =	vadd.f32 v20, v2  }
0x5a: {  	vm3 =	vge.f32 v21, $8.388608000e+06;
	v19 =	vadd.f32 $-1.258291200e+07, v19;
	v14 =	vadd.f32 $-1.258291200e+07, v14  }
0x5b: {  	v52 =	vld [tilespmem:s24+$0x8020];
	v26 =	vand.u32 $0x7FFFFFFF, v11;
	vm2 =	vge.f32 v27, $8.388608000e+06;
	v20 =	vadd.f32 $1.258291200e+07, v11  }
0x5c: {  	vm1 =	vge.f32 v24, $8.388608000e+06;
	v28 =	vadd.f32 $1.258291200e+07, v13;
	v25 =	vadd.f32 $-1.258291200e+07, v25  }
0x5d: {  	v53 =	vand.u32 $0x7FFFFFFF, v13;
	v21 =	vadd.f32 $-1.258291200e+07, v23;
	v12 =	vsel vm0, v12, v19  }
0x5e: {  	vm0 =	vge.f32 v53, $8.388608000e+06;
	v4 =	vadd.f32 v12, v4;
	v17 =	vsel vm3, v17, v25  }
0x5f: {  	[tilespmem:s23+$0x10060] =	vst v15;
	vm3 =	vge.f32 v18, $8.388608000e+06;
	v18 =	vadd.f32 $-1.258291200e+07, v28;
	v6 =	vadd.f32 v17, v6  }
0x60: {  	[tilespmem:s23+$0x10020] =	vst v2;
	v10 =	vsel vm2, v10, v21;
	v17 =	vadd.f32 $1.258291200e+07, v9;
	v15 =	vsub.f32 v16, v52  }
0x61: {  	v16 =	vadd.f32 $-1.258291200e+07, v20;
	[tilespmem:s24+$0x10040] =	vst v4;
	v4 =	vadd.f32 v10, v5;
	v2 =	vsel vm0, v13, v18  }
0x62: {  	v7 =	vsel vm3, v7, v14;
	[tilespmem:s24+$0x10010] =	vst v6;
	v6 =	vadd.f32 $1.258291200e+07, v15;
	v2 =	vadd.f32 v2, v8  }
0x63: {  	[tilespmem:s23+$0x10030] =	vst v22;
	vm4 =	vge.f32 v26, $8.388608000e+06;
	v0 =	vadd.f32 v7, v0;
	v12 =	vadd.f32 $-1.258291200e+07, v17  }
0x64: {  	v5 =	vand.u32 $0x7FFFFFFF, v15;
	v8 =	vsel vm4, v11, v16;
	[tilespmem:s24+$0x10000] =	vst v2;
	v2 =	vadd.f32 $-1.258291200e+07, v6  }
0x65: {  	[tilespmem:s24+$0x10050] =	vst v4;
	vm0 =	vge.f32 v5, $8.388608000e+06;
	v3 =	vadd.f32 v8, v3;
	v6 =	vsel vm1, v9, v12  }
0x66: {  	[tilespmem:s24+$0x10070] =	vst v0;
	v1 =	vadd.f32 v6, v1;
	v0 =	vsel vm0, v15, v2  }
0x67: {  	[tilespmem:s24+$0x10030] =	vst v3;
	v0 =	vadd.f32 v0, v52  }
0x68: {  	[tilespmem:s24+$0x10060] =	vst v1  }
0x69: {  	s31 =	simm.s32 $0x0;
	[tilespmem:s24+$0x10020] =	vst v0  }
0x6a: {  	[hbm4b:s7+s31] =	stream.linear.scatter [tilespmem:s17], [sflag:$0x3], $0x4000, $0x38;
	[tilespmem:$0x18000] =	vst v63  }
0x6b: {  	_ = 	snop  }
0x6c: {  	[tilespmem:s31], [sflag:$0x1] =	stream.linear.gather [hbm4b:s8+s31], $0x4000, $0x38;
	[tilespmem:$0x18000] =	vst v63  }
0x6d: {  	_ = 	snop  }
0x6e: {  	[tilespmem:s13], [sflag:$0x1] =	stream.linear.gather [hbm4b:s9+s31], $0x4000, $0x38;
	[tilespmem:$0x18000] =	vst v63  }
0x6f: {  	_ =	swait.ge [sflag:s18], $0x4000  }
0x70: {  	[sflag:s18] =	ssyncset.done $0x0  }
0x71: {  	[sflag:s18] =	ssyncadd.s32 $0xFFFFC000  }
0x72: {  	_ =	swait.ge [sflag:s18], $0x4000  }
0x73: {  	[sflag:s18] =	ssyncset.done $0x0  }
0x74: {  	s23 =	simm.s32 $0x0;
	[sflag:s18] =	ssyncadd.s32 $0xFFFFC000  }
0x75: {  	v0 =	vld [tilespmem:s23+$0x4070]  }
0x76: {  	v1 =	vld [tilespmem:s23+$0x4000]  }
0x77: {  	v2 =	vld [tilespmem:s23+$0x4060]  }
0x78: {  	v3 =	vld [tilespmem:s23+$0x4050]  }
0x79: {  	v4 =	vld [tilespmem:s23+$0x4030]  }
0x7a: {  	v5 =	vld [tilespmem:s23+$0x4040]  }
0x7b: {  	v6 =	vld [tilespmem:s23+$0xC010]  }
0x7c: {  	v8 =	vld [tilespmem:s23+$0xC070]  }
0x7d: {  	v7 =	vld [tilespmem:s23+$0xC040]  }
0x7e: {  	v9 =	vld [tilespmem:s23+$0x4010]  }
0x7f: {  	v10 =	vld [tilespmem:s23+$0xC050]  }
0x80: {  	v11 =	vld [tilespmem:s23+$0xC060]  }
0x81: {  	v22 =	vld [tilespmem:s23+$0xC030]  }
0x82: {  	v13 =	vld [tilespmem:s23+$0xC000];
	_ =	sdelay $0x1  }
0x83: {  	v12 =	vsub.f32 v0, v8;
	v0 =	vsub.f32 v5, v7  }
0x84: {  	v5 =	vsub.f32 v9, v6;
	v3 =	vsub.f32 v3, v10  }
0x85: {  	v18 =	vsub.f32 v2, v11;
	v20 =	vsub.f32 v4, v22  }
0x86: {  	v1 =	vsub.f32 v1, v13;
	v9 =	vadd.f32 $1.258291200e+07, v12;
	v14 =	vand.u32 $0x7FFFFFFF, v12  }
0x87: {  	v19 =	vld [tilespmem:s23+$0x4020];
	v15 =	vand.u32 $0x7FFFFFFF, v0;
	v16 =	vand.u32 $0x7FFFFFFF, v5;
	v17 =	vadd.f32 $1.258291200e+07, v0  }
0x88: {  	s24 =	simm.s32 $0x80;
	v2 =	vld [tilespmem:s23+$0xC020];
	v4 =	vadd.f32 $1.258291200e+07, v3;
	v21 =	vadd.f32 $1.258291200e+07, v5;
	v54 =	vand.u32 $0x7FFFFFFF, v20  }
0x89: {  	v23 =	vld [tilespmem:s24+$0x4070];
	v55 =	vand.u32 $0x7FFFFFFF, v3;
	v56 =	vadd.f32 $1.258291200e+07, v1;
	vm1 =	vge.f32 v15, $8.388608000e+06  }
0x8a: {  	v57 =	vld [tilespmem:s24+$0x4060];
	v15 =	vand.u32 $0x7FFFFFFF, v18;
	vm3 =	vge.f32 v16, $8.388608000e+06;
	v16 =	vadd.f32 $1.258291200e+07, v20  }
0x8b: {  	v58 =	vld [tilespmem:s24+$0x4050];
	vm0 =	vge.f32 v15, $8.388608000e+06;
	v15 =	vadd.f32 $-1.258291200e+07, v21;
	v59 =	vadd.f32 $-1.258291200e+07, v4  }
0x8c: {  	v29 =	vld [tilespmem:s24+$0x4030];
	vm2 =	vge.f32 v55, $8.388608000e+06;
	v60 =	vadd.f32 $-1.258291200e+07, v56;
	v9 =	vadd.f32 $-1.258291200e+07, v9  }
0x8d: {  	v61 =	vld [tilespmem:s24+$0x4010];
	vm15 =	vge.f32 v54, $8.388608000e+06;
	v19 =	vsub.f32 v19, v2;
	v16 =	vadd.f32 $-1.258291200e+07, v16  }
0x8e: {  	v4 =	vsel vm3, v5, v15;
	vm3 =	vge.f32 v14, $8.388608000e+06;
	v14 =	vld [tilespmem:s24+$0x4040];
	v15 =	vadd.f32 $1.258291200e+07, v18  }
0x8f: {  	v21 =	vand.u32 $0x7FFFFFFF, v1;
	v5 =	vadd.f32 $-1.258291200e+07, v17;
	v17 =	vadd.f32 v4, v6;
	v6 =	vld [tilespmem:s24+$0xC010]  }
0x90: {  	v3 =	vsel vm2, v3, v59;
	v4 =	vld [tilespmem:s24+$0xC040];
	v62 =	vadd.f32 $1.258291200e+07, v19;
	v15 =	vadd.f32 $-1.258291200e+07, v15  }
0x91: {  	v30 =	vadd.f32 v3, v10;
	v3 =	vld [tilespmem:s24+$0xC030];
	v5 =	vsel vm1, v0, v5;
	vm1 =	vge.f32 v21, $8.388608000e+06  }
0x92: {  	v0 =	vld [tilespmem:s24+$0xC070];
	v1 =	vsel vm1, v1, v60;
	v21 =	vadd.f32 v5, v7;
	v7 =	vsel vm0, v18, v15  }
0x93: {  	v9 =	vsel vm3, v12, v9;
	v5 =	vld [tilespmem:s24+$0xC050];
	v63 =	vadd.f32 v1, v13;
	v15 =	vadd.f32 v7, v11  }
0x94: {  	v10 =	vand.u32 $0x7FFFFFFF, v19;
	v1 =	vld [tilespmem:s24+$0xC060];
	v11 =	vadd.f32 v9, v8;
	v8 =	vadd.f32 $-1.258291200e+07, v62  }
0x95: {  	v31 =	vsel vm15, v20, v16;
	vm0 =	vge.f32 v10, $8.388608000e+06;
	v13 =	vld [tilespmem:s24+$0x4000]  }
0x96: {  	v22 =	vadd.f32 v31, v22;
	[tilespmem:s23+$0x14010] =	vst v17;
	v12 =	vsub.f32 v14, v4;
	v20 =	vsel vm0, v19, v8;
	v8 =	vld [tilespmem:s24+$0xC000]  }
0x97: {  	[tilespmem:s23+$0x14050] =	vst v30;
	v17 =	vsub.f32 v61, v6;
	v7 =	vsub.f32 v23, v0  }
0x98: {  	[tilespmem:s23+$0x14070] =	vst v11;
	v11 =	vsub.f32 v29, v3;
	v23 =	vand.u32 $0x7FFFFFFF, v12;
	v10 =	vsub.f32 v58, v5  }
0x99: {  	s25 =	simm.s32 $0x400;
	[tilespmem:s23+$0x14040] =	vst v21;
	v21 =	vand.u32 $0x7FFFFFFF, v17;
	v19 =	vadd.f32 $1.258291200e+07, v12;
	v9 =	vsub.f32 v57, v1  }
0x9a: {  	v16 =	vld [tilespmem:s24+$0x4020];
	[tilespmem:s23+$0x14000] =	vst v63;
	v14 =	vadd.f32 $1.258291200e+07, v7;
	v18 =	vand.u32 $0x7FFFFFFF, v7;
	vm0 =	vge.f32 v23, $8.388608000e+06  }
.LBB2_4:
0x9b: {  	s26 =	sshra.s32 s25, $0x2;
	p0 =	sne.s32 s25, $0xFE00;
	s25 =	sadd.s32 $0x200, s25;
	v23 =	vsub.f32 v13, v8;
	v24 =	vld [tilespmem:s24+$0xC020];
	v25 =	vadd.f32 $1.258291200e+07, v10;
	v26 =	vand.u32 $0x7FFFFFFF, v9  }
0x9c: {  	v28 =	vadd.f32 $1.258291200e+07, v17;
	v30 =	vand.u32 $0x7FFFFFFF, v10;
	v27 =	vld [tilespmem:s26+$0x4070];
	v29 =	vand.u32 $0x7FFFFFFF, v11;
	[tilespmem:s23+$0x14030] =	vst v22  }
0x9d: {  	vm2 =	vge.f32 v30, $8.388608000e+06;
	vm1 =	vge.f32 v26, $8.388608000e+06;
	v13 =	vld [tilespmem:s26+$0x4000];
	v22 =	vadd.f32 $1.258291200e+07, v23;
	[tilespmem:s23+$0x14060] =	vst v15  }
0x9e: {  	v31 =	vadd.f32 v20, v2;
	v15 =	vand.u32 $0x7FFFFFFF, v23;
	v28 =	vadd.f32 $-1.258291200e+07, v28;
	v26 =	vld [tilespmem:s26+$0x4060]  }
0x9f: {  	vm3 =	vge.f32 v21, $8.388608000e+06;
	v21 =	vadd.f32 $1.258291200e+07, v11;
	v25 =	vadd.f32 $-1.258291200e+07, v25;
	v20 =	vld [tilespmem:s26+$0x4050]  }
0xa0: {  	v19 =	vadd.f32 $-1.258291200e+07, v19;
	v17 =	vsel vm3, v17, v28;
	vm3 =	vge.f32 v18, $8.388608000e+06;
	v30 =	vld [tilespmem:s26+$0x4030];
	[tilespmem:s23+$0x14020] =	vst v31;
	v2 =	vmovc v24;
	s23 =	smov.u32 s24;
	s24 =	smov.u32 s26  }
0xa1: {  	vm4 =	vge.f32 v29, $8.388608000e+06;
	v17 =	vadd.f32 v17, v6;
	v24 =	vadd.f32 $1.258291200e+07, v9;
	v18 =	vld [tilespmem:s24+$0x4040]  }
0xa2: {  	v14 =	vadd.f32 $-1.258291200e+07, v14;
	v12 =	vsel vm0, v12, v19;
	v22 =	vadd.f32 $-1.258291200e+07, v22;
	v6 =	vld [tilespmem:s24+$0xC010]  }
0xa3: {  	vm0 =	vge.f32 v15, $8.388608000e+06;
	v15 =	vadd.f32 $-1.258291200e+07, v21;
	v16 =	vsub.f32 v16, v2;
	v19 =	vld [tilespmem:s24+$0xC070];
	[tilespmem:s23+$0x14010] =	vst v17  }
0xa4: {  	v12 =	vadd.f32 v12, v4;
	v21 =	vadd.f32 $-1.258291200e+07, v24;
	v17 =	vsel vm0, v23, v22;
	v4 =	vld [tilespmem:s24+$0xC040]  }
0xa5: {  	v10 =	vsel vm2, v10, v25;
	v14 =	vsel vm3, v7, v14;
	v23 =	vadd.f32 $1.258291200e+07, v16;
	v22 =	vld [tilespmem:s24+$0x4010]  }
0xa6: {  	v10 =	vadd.f32 v10, v5;
	v8 =	vadd.f32 v17, v8;
	v7 =	vsel vm1, v9, v21;
	[tilespmem:s23+$0x14040] =	vst v12;
	v5 =	vld [tilespmem:s24+$0xC050]  }
0xa7: {  	v24 =	vsel vm4, v11, v15;
	v9 =	vand.u32 $0x7FFFFFFF, v16;
	v15 =	vadd.f32 v7, v1;
	v1 =	vld [tilespmem:s24+$0xC060]  }
0xa8: {  	v11 =	vadd.f32 v14, v0;
	v25 =	vld [tilespmem:s24+$0xC030];
	v7 =	vsub.f32 v27, v19;
	[tilespmem:s23+$0x14000] =	vst v8;
	v0 =	vmov v19  }
.Ltmp1:
0xa9: {  	vm0 =	vge.f32 v9, $8.388608000e+06;
	v19 =	vadd.f32 $-1.258291200e+07, v23;
	v8 =	vld [tilespmem:s24+$0xC000];
	v12 =	vsub.f32 v18, v4;
	[tilespmem:s23+$0x14050] =	vst v10;
	(pc) =	sbr.rel @p0 .LBB2_4-.Ltmp1, $4  }
0xaa: {  	v17 =	vsub.f32 v22, v6;
	v14 =	vadd.f32 $1.258291200e+07, v7;
	v18 =	vand.u32 $0x7FFFFFFF, v7;
	[tilespmem:s23+$0x14070] =	vst v11  }
0xab: {  	v22 =	vand.u32 $0x7FFFFFFF, v12;
	v10 =	vsub.f32 v20, v5;
	v20 =	vsel vm0, v16, v19  }
0xac: {  	v19 =	vadd.f32 $1.258291200e+07, v12;
	v21 =	vand.u32 $0x7FFFFFFF, v17;
	v9 =	vsub.f32 v26, v1  }
0xad: {  	vm0 =	vge.f32 v22, $8.388608000e+06;
	v22 =	vadd.f32 v24, v3;
	v16 =	vld [tilespmem:s24+$0x4020];
	v11 =	vsub.f32 v30, v25;
	v3 =	vmovc v25  }
0xae: {  	v13 =	vsub.f32 v13, v8;
	v23 =	vadd.f32 $1.258291200e+07, v10;
	v24 =	vand.u32 $0x7FFFFFFF, v9  }
0xaf: {  	v25 =	vadd.f32 $1.258291200e+07, v17;
	v27 =	vand.u32 $0x7FFFFFFF, v10;
	v2 =	vadd.f32 v20, v2  }
0xb0: {  	vm3 =	vge.f32 v21, $8.388608000e+06;
	v19 =	vadd.f32 $-1.258291200e+07, v19;
	v14 =	vadd.f32 $-1.258291200e+07, v14  }
0xb1: {  	v52 =	vld [tilespmem:s24+$0xC020];
	v26 =	vand.u32 $0x7FFFFFFF, v11;
	vm2 =	vge.f32 v27, $8.388608000e+06;
	v20 =	vadd.f32 $1.258291200e+07, v11  }
0xb2: {  	vm1 =	vge.f32 v24, $8.388608000e+06;
	v28 =	vadd.f32 $1.258291200e+07, v13;
	v25 =	vadd.f32 $-1.258291200e+07, v25  }
0xb3: {  	v53 =	vand.u32 $0x7FFFFFFF, v13;
	v21 =	vadd.f32 $-1.258291200e+07, v23;
	v12 =	vsel vm0, v12, v19  }
0xb4: {  	vm0 =	vge.f32 v53, $8.388608000e+06;
	v4 =	vadd.f32 v12, v4;
	v17 =	vsel vm3, v17, v25  }
0xb5: {  	[tilespmem:s23+$0x14060] =	vst v15;
	vm3 =	vge.f32 v18, $8.388608000e+06;
	v18 =	vadd.f32 $-1.258291200e+07, v28;
	v6 =	vadd.f32 v17, v6  }
0xb6: {  	[tilespmem:s23+$0x14020] =	vst v2;
	v10 =	vsel vm2, v10, v21;
	v17 =	vadd.f32 $1.258291200e+07, v9;
	v15 =	vsub.f32 v16, v52  }
0xb7: {  	v16 =	vadd.f32 $-1.258291200e+07, v20;
	[tilespmem:s24+$0x14040] =	vst v4;
	v4 =	vadd.f32 v10, v5;
	v2 =	vsel vm0, v13, v18  }
0xb8: {  	v7 =	vsel vm3, v7, v14;
	[tilespmem:s24+$0x14010] =	vst v6;
	v6 =	vadd.f32 $1.258291200e+07, v15;
	v2 =	vadd.f32 v2, v8  }
0xb9: {  	[tilespmem:s23+$0x14030] =	vst v22;
	vm4 =	vge.f32 v26, $8.388608000e+06;
	v0 =	vadd.f32 v7, v0;
	v12 =	vadd.f32 $-1.258291200e+07, v17  }
0xba: {  	v5 =	vand.u32 $0x7FFFFFFF, v15;
	v8 =	vsel vm4, v11, v16;
	[tilespmem:s24+$0x14000] =	vst v2;
	v2 =	vadd.f32 $-1.258291200e+07, v6  }
0xbb: {  	[tilespmem:s24+$0x14050] =	vst v4;
	vm0 =	vge.f32 v5, $8.388608000e+06;
	v3 =	vadd.f32 v8, v3;
	v6 =	vsel vm1, v9, v12  }
0xbc: {  	[tilespmem:s24+$0x14070] =	vst v0;
	v1 =	vadd.f32 v6, v1;
	v0 =	vsel vm0, v15, v2  }
0xbd: {  	[tilespmem:s24+$0x14030] =	vst v3;
	v0 =	vadd.f32 v0, v52  }
0xbe: {  	[tilespmem:s24+$0x14060] =	vst v1  }
0xbf: {  	s31 =	simm.s32 $0x0;
	[tilespmem:s24+$0x14020] =	vst v0  }
0xc0: {  	[hbm4b:s10+s31] =	stream.linear.scatter [tilespmem:s19], [sflag:$0x4], $0x4000, $0x38;
	[tilespmem:$0x18000] =	vst v63  }
0xc1: {  	_ =	swait.ge [sflag:s16], $0x4000  }
0xc2: {  	[sflag:s16] =	ssyncset.done $0x0  }
0xc3: {  	[sflag:s16] =	ssyncadd.s32 $0xFFFFC000  }
0xc4: {  	_ =	swait.ge [sflag:s16], $0x4000  }
0xc5: {  	[sflag:s16] =	ssyncset.done $0x0  }
0xc6: {  	[sflag:s16] =	ssyncadd.s32 $0xFFFFC000  }
0xc7: {  	_ =	swait.ge [sflag:s20], $0x4000  }
0xc8: {  	[sflag:s20] =	ssyncset.done $0x0  }
0xc9: {  	s23 =	simm.s32 $0x0;
	[sflag:s20] =	ssyncadd.s32 $0xFFFFC000  }
0xca: {  	v0 =	vld [tilespmem:s23+$0x70]  }
0xcb: {  	v1 =	vld [tilespmem:s23+$0x0]  }
0xcc: {  	v2 =	vld [tilespmem:s23+$0x60]  }
0xcd: {  	v3 =	vld [tilespmem:s23+$0x50]  }
0xce: {  	v4 =	vld [tilespmem:s23+$0x30]  }
0xcf: {  	v5 =	vld [tilespmem:s23+$0x40]  }
0xd0: {  	v6 =	vld [tilespmem:s23+$0x8010]  }
0xd1: {  	v8 =	vld [tilespmem:s23+$0x8070]  }
0xd2: {  	v7 =	vld [tilespmem:s23+$0x8040]  }
0xd3: {  	v9 =	vld [tilespmem:s23+$0x10]  }
0xd4: {  	v10 =	vld [tilespmem:s23+$0x8050]  }
0xd5: {  	v11 =	vld [tilespmem:s23+$0x8060]  }
0xd6: {  	v22 =	vld [tilespmem:s23+$0x8030]  }
0xd7: {  	v13 =	vld [tilespmem:s23+$0x8000];
	_ =	sdelay $0x1  }
0xd8: {  	v12 =	vsub.f32 v0, v8;
	v0 =	vsub.f32 v5, v7  }
0xd9: {  	v5 =	vsub.f32 v9, v6;
	v3 =	vsub.f32 v3, v10  }
0xda: {  	v18 =	vsub.f32 v2, v11;
	v20 =	vsub.f32 v4, v22  }
0xdb: {  	v1 =	vsub.f32 v1, v13;
	v9 =	vadd.f32 $1.258291200e+07, v12;
	v14 =	vand.u32 $0x7FFFFFFF, v12  }
0xdc: {  	v19 =	vld [tilespmem:s23+$0x20];
	v15 =	vand.u32 $0x7FFFFFFF, v0;
	v16 =	vand.u32 $0x7FFFFFFF, v5;
	v17 =	vadd.f32 $1.258291200e+07, v0  }
0xdd: {  	s24 =	simm.s32 $0x80;
	v2 =	vld [tilespmem:s23+$0x8020];
	v4 =	vadd.f32 $1.258291200e+07, v3;
	v21 =	vadd.f32 $1.258291200e+07, v5;
	v54 =	vand.u32 $0x7FFFFFFF, v20  }
0xde: {  	v23 =	vld [tilespmem:s24+$0x70];
	v55 =	vand.u32 $0x7FFFFFFF, v3;
	v56 =	vadd.f32 $1.258291200e+07, v1;
	vm1 =	vge.f32 v15, $8.388608000e+06  }
0xdf: {  	v57 =	vld [tilespmem:s24+$0x60];
	v15 =	vand.u32 $0x7FFFFFFF, v18;
	vm3 =	vge.f32 v16, $8.388608000e+06;
	v16 =	vadd.f32 $1.258291200e+07, v20  }
0xe0: {  	v58 =	vld [tilespmem:s24+$0x50];
	vm0 =	vge.f32 v15, $8.388608000e+06;
	v15 =	vadd.f32 $-1.258291200e+07, v21;
	v59 =	vadd.f32 $-1.258291200e+07, v4  }
0xe1: {  	v29 =	vld [tilespmem:s24+$0x30];
	vm2 =	vge.f32 v55, $8.388608000e+06;
	v60 =	vadd.f32 $-1.258291200e+07, v56;
	v9 =	vadd.f32 $-1.258291200e+07, v9  }
0xe2: {  	v61 =	vld [tilespmem:s24+$0x10];
	vm15 =	vge.f32 v54, $8.388608000e+06;
	v19 =	vsub.f32 v19, v2;
	v16 =	vadd.f32 $-1.258291200e+07, v16  }
0xe3: {  	v4 =	vsel vm3, v5, v15;
	vm3 =	vge.f32 v14, $8.388608000e+06;
	v14 =	vld [tilespmem:s24+$0x40];
	v15 =	vadd.f32 $1.258291200e+07, v18  }
0xe4: {  	v21 =	vand.u32 $0x7FFFFFFF, v1;
	v5 =	vadd.f32 $-1.258291200e+07, v17;
	v17 =	vadd.f32 v4, v6;
	v6 =	vld [tilespmem:s24+$0x8010]  }
0xe5: {  	v3 =	vsel vm2, v3, v59;
	v4 =	vld [tilespmem:s24+$0x8040];
	v62 =	vadd.f32 $1.258291200e+07, v19;
	v15 =	vadd.f32 $-1.258291200e+07, v15  }
0xe6: {  	v30 =	vadd.f32 v3, v10;
	v3 =	vld [tilespmem:s24+$0x8030];
	v5 =	vsel vm1, v0, v5;
	vm1 =	vge.f32 v21, $8.388608000e+06  }
0xe7: {  	v0 =	vld [tilespmem:s24+$0x8070];
	v1 =	vsel vm1, v1, v60;
	v21 =	vadd.f32 v5, v7;
	v7 =	vsel vm0, v18, v15  }
0xe8: {  	v9 =	vsel vm3, v12, v9;
	v5 =	vld [tilespmem:s24+$0x8050];
	v63 =	vadd.f32 v1, v13;
	v15 =	vadd.f32 v7, v11  }
0xe9: {  	v10 =	vand.u32 $0x7FFFFFFF, v19;
	v1 =	vld [tilespmem:s24+$0x8060];
	v11 =	vadd.f32 v9, v8;
	v8 =	vadd.f32 $-1.258291200e+07, v62  }
0xea: {  	v31 =	vsel vm15, v20, v16;
	vm0 =	vge.f32 v10, $8.388608000e+06;
	v13 =	vld [tilespmem:s24+$0x0]  }
0xeb: {  	v22 =	vadd.f32 v31, v22;
	[tilespmem:s23+$0x10010] =	vst v17;
	v12 =	vsub.f32 v14, v4;
	v20 =	vsel vm0, v19, v8;
	v8 =	vld [tilespmem:s24+$0x8000]  }
0xec: {  	[tilespmem:s23+$0x10050] =	vst v30;
	v18 =	vsub.f32 v61, v6;
	v7 =	vsub.f32 v23, v0  }
0xed: {  	[tilespmem:s23+$0x10070] =	vst v11;
	v11 =	vsub.f32 v29, v3;
	v23 =	vand.u32 $0x7FFFFFFF, v12;
	v10 =	vsub.f32 v58, v5  }
0xee: {  	s25 =	simm.s32 $0x400;
	[tilespmem:s23+$0x10040] =	vst v21;
	v21 =	vand.u32 $0x7FFFFFFF, v18;
	v19 =	vadd.f32 $1.258291200e+07, v12;
	v9 =	vsub.f32 v57, v1  }
0xef: {  	v16 =	vld [tilespmem:s24+$0x20];
	[tilespmem:s23+$0x10000] =	vst v63;
	v14 =	vadd.f32 $1.258291200e+07, v7;
	v17 =	vand.u32 $0x7FFFFFFF, v7;
	vm0 =	vge.f32 v23, $8.388608000e+06  }
.LBB2_6:
0xf0: {  	s26 =	sshra.s32 s25, $0x2;
	p0 =	sne.s32 s25, $0xFE00;
	s25 =	sadd.s32 $0x200, s25;
	v23 =	vsub.f32 v13, v8;
	v24 =	vld [tilespmem:s24+$0x8020];
	v25 =	vadd.f32 $1.258291200e+07, v10;
	v26 =	vand.u32 $0x7FFFFFFF, v9  }
0xf1: {  	v28 =	vadd.f32 $1.258291200e+07, v18;
	v30 =	vand.u32 $0x7FFFFFFF, v10;
	v27 =	vld [tilespmem:s26+$0x70];
	v29 =	vand.u32 $0x7FFFFFFF, v11;
	[tilespmem:s23+$0x10030] =	vst v22  }
0xf2: {  	vm2 =	vge.f32 v30, $8.388608000e+06;
	vm1 =	vge.f32 v26, $8.388608000e+06;
	v13 =	vld [tilespmem:s26+$0x0];
	v22 =	vadd.f32 $1.258291200e+07, v23;
	[tilespmem:s23+$0x10060] =	vst v15  }
0xf3: {  	v31 =	vadd.f32 v20, v2;
	v15 =	vand.u32 $0x7FFFFFFF, v23;
	v28 =	vadd.f32 $-1.258291200e+07, v28;
	v26 =	vld [tilespmem:s26+$0x60]  }
0xf4: {  	vm3 =	vge.f32 v21, $8.388608000e+06;
	v21 =	vadd.f32 $1.258291200e+07, v11;
	v25 =	vadd.f32 $-1.258291200e+07, v25;
	v20 =	vld [tilespmem:s26+$0x50]  }
0xf5: {  	v19 =	vadd.f32 $-1.258291200e+07, v19;
	v18 =	vsel vm3, v18, v28;
	vm3 =	vge.f32 v17, $8.388608000e+06;
	v30 =	vld [tilespmem:s26+$0x30];
	[tilespmem:s23+$0x10020] =	vst v31;
	v2 =	vmovc v24;
	s23 =	smov.u32 s24;
	s24 =	smov.u32 s26  }
0xf6: {  	vm4 =	vge.f32 v29, $8.388608000e+06;
	v18 =	vadd.f32 v18, v6;
	v24 =	vadd.f32 $1.258291200e+07, v9;
	v17 =	vld [tilespmem:s24+$0x40]  }
0xf7: {  	v14 =	vadd.f32 $-1.258291200e+07, v14;
	v12 =	vsel vm0, v12, v19;
	v22 =	vadd.f32 $-1.258291200e+07, v22;
	v6 =	vld [tilespmem:s24+$0x8010]  }
0xf8: {  	vm0 =	vge.f32 v15, $8.388608000e+06;
	v15 =	vadd.f32 $-1.258291200e+07, v21;
	v16 =	vsub.f32 v16, v2;
	v19 =	vld [tilespmem:s24+$0x8070];
	[tilespmem:s23+$0x10010] =	vst v18  }
0xf9: {  	v12 =	vadd.f32 v12, v4;
	v21 =	vadd.f32 $-1.258291200e+07, v24;
	v18 =	vsel vm0, v23, v22;
	v4 =	vld [tilespmem:s24+$0x8040]  }
0xfa: {  	v10 =	vsel vm2, v10, v25;
	v14 =	vsel vm3, v7, v14;
	v23 =	vadd.f32 $1.258291200e+07, v16;
	v22 =	vld [tilespmem:s24+$0x10]  }
0xfb: {  	v10 =	vadd.f32 v10, v5;
	v8 =	vadd.f32 v18, v8;
	v7 =	vsel vm1, v9, v21;
	[tilespmem:s23+$0x10040] =	vst v12;
	v5 =	vld [tilespmem:s24+$0x8050]  }
0xfc: {  	v24 =	vsel vm4, v11, v15;
	v9 =	vand.u32 $0x7FFFFFFF, v16;
	v15 =	vadd.f32 v7, v1;
	v1 =	vld [tilespmem:s24+$0x8060]  }
0xfd: {  	v11 =	vadd.f32 v14, v0;
	v25 =	vld [tilespmem:s24+$0x8030];
	v7 =	vsub.f32 v27, v19;
	[tilespmem:s23+$0x10000] =	vst v8;
	v0 =	vmov v19  }
.Ltmp2:
0xfe: {  	vm0 =	vge.f32 v9, $8.388608000e+06;
	v19 =	vadd.f32 $-1.258291200e+07, v23;
	v8 =	vld [tilespmem:s24+$0x8000];
	v12 =	vsub.f32 v17, v4;
	[tilespmem:s23+$0x10050] =	vst v10;
	(pc) =	sbr.rel @p0 .LBB2_6-.Ltmp2, $4  }
0xff: {  	v18 =	vsub.f32 v22, v6;
	v14 =	vadd.f32 $1.258291200e+07, v7;
	v17 =	vand.u32 $0x7FFFFFFF, v7;
	[tilespmem:s23+$0x10070] =	vst v11  }
0x100: {  	v22 =	vand.u32 $0x7FFFFFFF, v12;
	v10 =	vsub.f32 v20, v5;
	v20 =	vsel vm0, v16, v19  }
0x101: {  	v19 =	vadd.f32 $1.258291200e+07, v12;
	v21 =	vand.u32 $0x7FFFFFFF, v18;
	v9 =	vsub.f32 v26, v1  }
0x102: {  	vm0 =	vge.f32 v22, $8.388608000e+06;
	v22 =	vadd.f32 v24, v3;
	v16 =	vld [tilespmem:s24+$0x20];
	v11 =	vsub.f32 v30, v25;
	v3 =	vmovc v25  }
0x103: {  	v23 =	vadd.f32 $1.258291200e+07, v18  }
0x104: {  	v13 =	vsub.f32 v13, v8;
	v24 =	vadd.f32 $1.258291200e+07, v10  }
0x105: {  	v25 =	vand.u32 $0x7FFFFFFF, v9;
	vm1 =	vge.f32 v21, $8.388608000e+06;
	v26 =	vand.u32 $0x7FFFFFFF, v10  }
0x106: {  	v2 =	vadd.f32 v20, v2;
	v19 =	vadd.f32 $-1.258291200e+07, v19;
	vm3 =	vge.f32 v17, $8.388608000e+06  }
0x107: {  	v47 =	vld [tilespmem:s24+$0x8020];
	v50 =	vadd.f32 $1.258291200e+07, v9;
	v14 =	vadd.f32 $-1.258291200e+07, v14;
	v45 =	vand.u32 $0x7FFFFFFF, v11  }
0x108: {  	vm2 =	vge.f32 v26, $8.388608000e+06;
	vm13 =	vge.f32 v25, $8.388608000e+06;
	v49 =	vadd.f32 $1.258291200e+07, v11  }
0x109: {  	v23 =	vadd.f32 $-1.258291200e+07, v23;
	v27 =	vadd.f32 $1.258291200e+07, v13;
	v48 =	vand.u32 $0x7FFFFFFF, v13  }
0x10a: {  	v24 =	vadd.f32 $-1.258291200e+07, v24;
	vm4 =	vge.f32 v45, $8.388608000e+06;
	v12 =	vsel vm0, v12, v19  }
0x10b: {  	[tilespmem:s23+$0x10060] =	vst v15;
	v55 =	vadd.f32 $-1.258291200e+07, v50;
	v7 =	vsel vm3, v7, v14;
	v53 =	vadd.f32 $-1.258291200e+07, v49  }
0x10c: {  	[tilespmem:s23+$0x10030] =	vst v22;
	vm14 =	vge.f32 v48, $8.388608000e+06;
	v4 =	vadd.f32 v12, v4;
	v52 =	vsub.f32 v16, v47  }
0x10d: {  	[tilespmem:s23+$0x10020] =	vst v2;
	v0 =	vadd.f32 v7, v0;
	v46 =	vsel vm1, v18, v23;
	v51 =	vadd.f32 $-1.258291200e+07, v27  }
0x10e: {  	v57 =	vsel vm2, v10, v24;
	v6 =	vadd.f32 v46, v6;
	[tilespmem:s24+$0x10040] =	vst v4;
	v56 =	vadd.f32 $1.258291200e+07, v52  }
0x10f: {  	v62 =	vsel vm13, v9, v55;
	v58 =	vadd.f32 v57, v5;
	v60 =	vsel vm4, v11, v53;
	[tilespmem:s24+$0x10070] =	vst v0  }
0x110: {  	v1 =	vadd.f32 v62, v1;
	[tilespmem:s24+$0x10010] =	vst v6;
	v59 =	vand.u32 $0x7FFFFFFF, v52;
	v61 =	vadd.f32 $-1.258291200e+07, v56  }
0x111: {  	v54 =	vsel vm14, v13, v51;
	v3 =	vadd.f32 v60, v3;
	[tilespmem:s24+$0x10050] =	vst v58;
	vm15 =	vge.f32 v59, $8.388608000e+06  }
0x112: {  	v2 =	vadd.f32 v54, v8;
	[tilespmem:s24+$0x10060] =	vst v1;
	v63 =	vsel vm15, v52, v61  }
0x113: {  	[tilespmem:s24+$0x10030] =	vst v3;
	v0 =	vadd.f32 v63, v47  }
0x114: {  	[tilespmem:s24+$0x10000] =	vst v2  }
0x115: {  	s22 =	sadd.s32 $0x1, s22;
	[tilespmem:s24+$0x10020] =	vst v0  }
0x116: {  	[hbm4b:s11+s2] =	stream.linear.scatter [tilespmem:s17], [sflag:$0x3], $0x4000, $0x38;
	[tilespmem:$0x18000] =	vst v63  }
0x117: {  	p0 =	sne.s32 s22, s12;
	_ =	swait.ge [sflag:s21], $0x4000  }
.Ltmp3:
0x118: {  	[sflag:s21] =	ssyncset.done $0x0;
	(pc) =	sbr.rel @p0 .LBB2_1-.Ltmp3, $4  }
0x119: {  	[sflag:s21] =	ssyncadd.s32 $0xFFFFC000  }
0x11a: {  	_ =	swait.ge [sflag:s20], $0x4000  }
0x11b: {  	[sflag:s20] =	ssyncset.done $0x0  }
0x11c: {  	[sflag:s20] =	ssyncadd.s32 $0xFFFFC000  }
0x11d: {  	_ =	sfence.sel $0x180000  }
0x11e: {  	[bflag:$0x0] =	sbarrier.arrive $0xFFFF  }
0x11f: {  	p0 =	sne.s32 s0, $0x0;
	_ =	strace $0x90000047  }
0x120: {  	s0 =	sadd.s32 @!p0 $0x100000, s1;
	[bflag:$0x2] =	sbarrier.arrive $0xFFFF  }
0x121: {  	[sflag:s0] =	ssyncadd.tile.s32 @!p0 $0x1;
	_ =	shalt  }
.Lfunc_end2:
_tile_overlayer_lowered:
.L_overlay_start_2:
0x122: {  	(tag) =	ssettag $0x2  }
0x123: {  	s0 =	rddreg [dreg:$0x0];
	s2 =	stileid.u32  }
0x124: {  	s1 =	rddreg [dreg:$0x1];
	p0 =	sne.s32 s2, $0x0  }
0x125: {  	s3 =	rddreg [dreg:$0x2];
	[bflag:$0x3] =	sbarrier.arrive $0xFFFF;
	s2 =	simm.s32 @!p0 $0x1C05  }
0x126: {  	[timem:s3], [sflag:s2] =	dma.local @!p0 [hbm:s0], s1  }
0x127: {  	s0 =	simm.s32 @!p0 $0x5  }
0x128: {  	_ =	swait.ge @!p0 [sflag:s0], s1  }
0x129: {  	s1 =	ssub.s32 @!p0 $0x0, s1;
	[sflag:s0] =	ssyncset.done @!p0 $0x0  }
0x12a: {  	[sflag:s0] =	ssyncadd.s32 @!p0 s1  }
0x12b: {  	[bflag:$0x3] =	sbarrier.arrive $0xFFFF  }
0x12c: {  	_ =	shalt  }

</sc_bundles>
